<compile_context>
chip_gen: v7x
topology: tpu7x:2x2x1
jax: 0.10.2.dev20260603
libtpu: 0.0.44.dev20260713+nightly
codegen_flags: <defaults>
</compile_context>

<pallas_src>
import functools

import jax
import jax.numpy as jnp
from jax import lax
from jax.experimental import pallas as pl
from jax.experimental.pallas import tpu as pltpu
from jax.experimental.pallas import tpu_sc as plsc


def _node_proj_body(x_ref, wk_ref, wq_ref, wv_ref, ws_ref, bias_ref,
                    a_ref, bc_ref, s_ref):
    xb = x_ref[...]
    f32 = jnp.float32
    a_ref[...] = jnp.dot(xb, wk_ref[...], preferred_element_type=f32)
    bc_ref[:, : wq_ref.shape[1]] = jnp.dot(xb, wq_ref[...], preferred_element_type=f32)
    bc_ref[:, wq_ref.shape[1]:] = jnp.dot(xb, wv_ref[...], preferred_element_type=f32)
    s_ref[...] = jnp.dot(xb, ws_ref[...], preferred_element_type=f32) + bias_ref[...]


def _node_proj(x, wk, wq, wv, ws, bias):
    n, d = x.shape
    blk = 1000
    grid = n // blk
    full = lambda i: (0, 0)
    return pl.pallas_call(
        _node_proj_body,
        grid=(grid,),
        in_specs=[
            pl.BlockSpec((blk, d), lambda i: (i, 0)),
            pl.BlockSpec((d, d), full),
            pl.BlockSpec((d, d), full),
            pl.BlockSpec((d, d), full),
            pl.BlockSpec((d, d), full),
            pl.BlockSpec((1, d), full),
        ],
        out_specs=[
            pl.BlockSpec((blk, d), lambda i: (i, 0)),
            pl.BlockSpec((blk, 2 * d), lambda i: (i, 0)),
            pl.BlockSpec((blk, d), lambda i: (i, 0)),
        ],
        out_shape=[
            jax.ShapeDtypeStruct((n, d), jnp.float32),
            jax.ShapeDtypeStruct((n, 2 * d), jnp.float32),
            jax.ShapeDtypeStruct((n, d), jnp.float32),
        ],
    )(x, wk, wq, wv, ws, bias)


def _edge_proj_body(ea_ref, wke_ref, wqe_ref, wve_ref, bkq_ref, bv_ref, gh_ref):
    ea = ea_ref[...]
    f32 = jnp.float32
    d = wke_ref.shape[1]
    wg = wke_ref[...] + wqe_ref[...]
    gh_ref[:, :d] = jnp.dot(ea, wg, preferred_element_type=f32) + bkq_ref[...]
    gh_ref[:, d:] = jnp.dot(ea, wve_ref[...], preferred_element_type=f32) + bv_ref[...]


def _edge_proj(ea, wke, wqe, wve, bkq, bv):
    e, de = ea.shape
    d = wke.shape[1]
    blk = 4000
    grid = e // blk
    full = lambda i: (0, 0)
    return pl.pallas_call(
        _edge_proj_body,
        grid=(grid,),
        in_specs=[
            pl.BlockSpec((blk, de), lambda i: (i, 0)),
            pl.BlockSpec((de, d), full),
            pl.BlockSpec((de, d), full),
            pl.BlockSpec((de, d), full),
            pl.BlockSpec((1, d), full),
            pl.BlockSpec((1, d), full),
        ],
        out_specs=pl.BlockSpec((blk, 2 * d), lambda i: (i, 0)),
        out_shape=jax.ShapeDtypeStruct((e, 2 * d), jnp.float32),
    )(ea, wke, wqe, wve, bkq, bv)


def _add2_body(p0_ref, p1_ref, o_ref):
    o_ref[...] = p0_ref[...] + p1_ref[...]


def _add2(p0, p1):
    n, d = p0.shape
    blk = 1000
    return pl.pallas_call(
        _add2_body,
        grid=(n // blk,),
        in_specs=[pl.BlockSpec((blk, d), lambda i: (i, 0)),
                  pl.BlockSpec((blk, d), lambda i: (i, 0))],
        out_specs=pl.BlockSpec((blk, d), lambda i: (i, 0)),
        out_shape=jax.ShapeDtypeStruct((n, d), jnp.float32),
    )(p0, p1)


_NC, _NS = 2, 16
_BE = 40


def _sc_aggregate(n, d, e_total):
    nw = _NC * _NS
    per_w = e_total // nw
    nb = per_w // _BE
    rows_main = (n // _NS) // 8 * 8
    rows_last = n - (_NS - 1) * rows_main
    mesh = plsc.VectorSubcoreMesh(core_axis_name="c", subcore_axis_name="s")

    @functools.partial(
        pl.kernel,
        out_type=[jax.ShapeDtypeStruct((n, d), jnp.float32),
                  jax.ShapeDtypeStruct((n, d), jnp.float32)],
        mesh=mesh,
        scratch_types=[
            pltpu.VMEM((_BE,), jnp.int32),
            pltpu.VMEM((_BE,), jnp.int32),
            pltpu.VMEM((_BE, d), jnp.float32),
            pltpu.VMEM((_BE, 2 * d), jnp.float32),
            pltpu.VMEM((_BE, 2 * d), jnp.float32),
            pltpu.VMEM_SHARED((n, d), jnp.float32),
            pltpu.SemaphoreType.DMA,
            pltpu.SemaphoreType.DMA,
        ],
    )
    def agg(src_hbm, dst_hbm, a_hbm, bc_hbm, gh_hbm, s_hbm, z_hbm,
            out0_hbm, out1_hbm,
            srcv, dstv, av, bcv, ghv, acc, sem_a, sem_bc):
        cid = lax.axis_index("c")
        sid = lax.axis_index("s")
        wid = cid * _NS + sid
        row0 = sid * rows_main
        is_last = sid == _NS - 1

        def init_rows(nrows):
            @pl.when(cid == 0)
            def _():
                pltpu.sync_copy(s_hbm.at[pl.ds(row0, nrows)],
                                acc.at[pl.ds(row0, nrows)])

            @pl.when(cid != 0)
            def _():
                pltpu.sync_copy(z_hbm.at[pl.ds(row0, nrows)],
                                acc.at[pl.ds(row0, nrows)])

        @pl.when(jnp.logical_not(is_last))
        def _():
            init_rows(rows_main)

        @pl.when(is_last)
        def _():
            init_rows(rows_last)

        plsc.subcore_barrier()

        def batch(i, carry):
            base = wid * per_w + i * _BE
            pltpu.sync_copy(src_hbm.at[pl.ds(base, _BE)], srcv)
            pltpu.sync_copy(dst_hbm.at[pl.ds(base, _BE)], dstv)
            cp_a = pltpu.async_copy(a_hbm.at[dstv], av, sem_a)
            cp_bc = pltpu.async_copy(bc_hbm.at[srcv], bcv, sem_bc)
            pltpu.sync_copy(gh_hbm.at[pl.ds(base, _BE)], ghv)
            cp_a.wait()
            cp_bc.wait()

            def edge(eidx, c2):
                for j in range(d // 16):
                    o = j * 16
                    a = av[eidx, pl.ds(o, 16)]
                    b = bcv[eidx, pl.ds(o, 16)]
                    cvec = bcv[eidx, pl.ds(d + o, 16)]
                    g = ghv[eidx, pl.ds(o, 16)]
                    h = ghv[eidx, pl.ds(d + o, 16)]
                    gate = 1.0 / (1.0 + jnp.exp(-(a + b + g)))
                    av[eidx, pl.ds(o, 16)] = gate * (cvec + h)
                return c2

            lax.fori_loop(0, _BE, edge, 0)
            pltpu.sync_copy(av, acc.at[dstv], add=True)
            return carry

        lax.fori_loop(0, nb, batch, 0)
        plsc.subcore_barrier()

        def write_rows(nrows):
            @pl.when(cid == 0)
            def _():
                pltpu.sync_copy(acc.at[pl.ds(row0, nrows)],
                                out0_hbm.at[pl.ds(row0, nrows)])

            @pl.when(cid != 0)
            def _():
                pltpu.sync_copy(acc.at[pl.ds(row0, nrows)],
                                out1_hbm.at[pl.ds(row0, nrows)])

        @pl.when(jnp.logical_not(is_last))
        def _():
            write_rows(rows_main)

        @pl.when(is_last)
        def _():
            write_rows(rows_last)

    return agg


def kernel(x, edge_index, edge_attr, Wk, bk, Wq, bq, Wv, bv, Wskip, bias):
    n, d = x.shape
    e = edge_index.shape[1]

    a_tab, bc_tab, s_tab = _node_proj(
        x, Wk[:d], Wq[:d], Wv[:d], Wskip, bias.reshape(1, d))
    gh_tab = _edge_proj(
        edge_attr, Wk[d:], Wq[d:], Wv[d:],
        (bk + bq).reshape(1, d), bv.reshape(1, d))

    src = edge_index[0]
    dst = edge_index[1]
    zeros = jnp.zeros((n, d), jnp.float32)
    p0, p1 = _sc_aggregate(n, d, e)(src, dst, a_tab, bc_tab, gh_tab, s_tab, zeros)
    return _add2(p0, p1)

# --- scband reference (transcript-rebuilt; emitter-appended) ---
"""Pipeline reference for scband-edge-aggregator-gated-16595753632163 (READ-ONLY COPY).

The authoritative reference and input builder live on the scoring server;
editing this copy changes nothing except your own understanding.
"""

import jax, jax.numpy as jnp
import numpy as np

N = 10000
E = 320000
D = 128
DE = 16

def setup_inputs(seed: int = 0):
    key = jax.random.key(seed)
    ks = jax.random.split(key, 12)
    s = 1.0 / np.sqrt(D + DE)
    s2 = 1.0 / np.sqrt(D)
    return {
        "x": jax.random.normal(ks[0], (N, D), dtype=jnp.float32),
        "edge_index": jax.random.randint(ks[1], (2, E), 0, N, dtype=jnp.int32),
        "edge_attr": jax.random.normal(ks[2], (E, DE), dtype=jnp.float32),
        "Wk": jax.random.uniform(ks[3], (D + DE, D), dtype=jnp.float32, minval=-s, maxval=s),
        "bk": jnp.zeros((D,), dtype=jnp.float32),
        "Wq": jax.random.uniform(ks[4], (D + DE, D), dtype=jnp.float32, minval=-s, maxval=s),
        "bq": jnp.zeros((D,), dtype=jnp.float32),
        "Wv": jax.random.uniform(ks[5], (D + DE, D), dtype=jnp.float32, minval=-s, maxval=s),
        "bv": jnp.zeros((D,), dtype=jnp.float32),
        "Wskip": jax.random.uniform(ks[6], (D, D), dtype=jnp.float32, minval=-s2, maxval=s2),
        "bias": jnp.zeros((D,), dtype=jnp.float32),
    }

def reference(x, edge_index, edge_attr, Wk, bk, Wq, bq, Wv, bv, Wskip, bias):
    # PyG ResGatedGraphConv with edge_dim: per-edge gather, concat edge_attr,
    # per-edge linear projections, gated message, scatter-add to target nodes.
    src = edge_index[0]  # j (source)
    dst = edge_index[1]  # i (target)
    k_i = jnp.take(x, dst, axis=0)
    q_j = jnp.take(x, src, axis=0)
    v_j = jnp.take(x, src, axis=0)
    k = jnp.concatenate([k_i, edge_attr], axis=-1) @ Wk + bk
    q = jnp.concatenate([q_j, edge_attr], axis=-1) @ Wq + bq
    v = jnp.concatenate([v_j, edge_attr], axis=-1) @ Wv + bv
    msg = jax.nn.sigmoid(k + q) * v
    agg = jax.ops.segment_sum(msg, dst, num_segments=N)
    out = agg + x @ Wskip + bias
    return out

if __name__ == "__main__":
    import jax
    _d = setup_inputs()
    print(jax.jit(kernel)(*tuple(_d.values())))

</pallas_src>

<mosaic_0001>
#map = affine_map<(d0, d1) -> (0)>
#map1 = affine_map<(d0, d1) -> (0, 0)>
module attributes {stable_mosaic.version = 14 : i64} {
  func.func @agg(%arg0: i32, %arg1: i32, %arg2: memref<320000xi32, #tpu.memory_space<hbm>>, %arg3: memref<320000xi32, #tpu.memory_space<hbm>>, %arg4: memref<10000x128xf32, #tpu.memory_space<hbm>>, %arg5: memref<10000x256xf32, #tpu.memory_space<hbm>>, %arg6: memref<320000x256xf32, #tpu.memory_space<hbm>>, %arg7: memref<10000x128xf32, #tpu.memory_space<hbm>>, %arg8: memref<10000x128xf32, #tpu.memory_space<hbm>>, %arg9: memref<10000x128xf32, #tpu.memory_space<hbm>>, %arg10: memref<10000x128xf32, #tpu.memory_space<hbm>>, %arg11: memref<40xi32, #tpu.memory_space<vmem>>, %arg12: memref<40xi32, #tpu.memory_space<vmem>>, %arg13: memref<40x128xf32, #tpu.memory_space<vmem>>, %arg14: memref<40x256xf32, #tpu.memory_space<vmem>>, %arg15: memref<40x256xf32, #tpu.memory_space<vmem>>, %arg16: memref<10000x128xf32, #tpu.memory_space<vmem_shared>>, %arg17: memref<!tpu.dma_semaphore, #tpu.memory_space<semaphore_mem>>, %arg18: memref<!tpu.dma_semaphore, #tpu.memory_space<semaphore_mem>>) attributes {dimension_semantics = [#tpu.dimension_semantics<core_parallel>, #tpu.dimension_semantics<subcore_parallel>], iteration_bounds = array<i64: 2, 16>, scalar_prefetch = 0 : i64, scratch_operands = 8 : i64, tpu.core_type = #tpu.core_type<sc_vector_subcore>, window_params = [{transform_indices = #map}, {transform_indices = #map}, {transform_indices = #map1}, {transform_indices = #map1}, {transform_indices = #map1}, {transform_indices = #map1}, {transform_indices = #map1}, {transform_indices = #map1}, {transform_indices = #map1}]} {
    %mul3A = arith.constant 16 : i32
    %mul3A_0 = arith.muli %arg0, %mul3A : i32
    %add3A = arith.addi %mul3A_0, %arg1 : i32
    %mul3A_1 = arith.constant 624 : i32
    %mul3A_2 = arith.muli %arg1, %mul3A_1 : i32
    %eq3A = arith.constant 15 : i32
    %eq3A_3 = arith.cmpi eq, %arg1, %eq3A : i32
    %not3A = arith.constant true
    %not3A_4 = arith.xori %eq3A_3, %not3A : i1
    %convert_element_type3A = arith.extui %not3A_4 : i1 to i32
    %cond3A = arith.constant 0 : i32
    %cond3A_5 = arith.cmpi ne, %convert_element_type3A, %cond3A : i32
    scf.if %cond3A_5 {
      %eq3A_23 = arith.constant 0 : i32
      %eq3A_24 = arith.cmpi eq, %arg0, %eq3A_23 : i32
      %convert_element_type3A_25 = arith.extui %eq3A_24 : i1 to i32
      %cond3A_26 = arith.constant 0 : i32
      %cond3A_27 = arith.cmpi ne, %convert_element_type3A_25, %cond3A_26 : i32
      scf.if %cond3A_27 {
        "tpu.region"() ({
          %run_scoped3A = tpu.sem_alloc : memref<!tpu.dma_semaphore, #tpu.memory_space<semaphore_mem>>
          %dma_start3A = arith.constant 0 : i32
          %dma_start3A_32 = tpu.memref_slice %arg16[%mul3A_2, %dma_start3A] : memref<10000x128xf32, #tpu.memory_space<vmem_shared>> -> memref<624x128xf32, #tpu.memory_space<vmem_shared>>
          %dma_start3A_33 = arith.constant 0 : i32
          %dma_start3A_34 = tpu.memref_slice %arg7[%mul3A_2, %dma_start3A_33] : memref<10000x128xf32, #tpu.memory_space<hbm>> -> memref<624x128xf32, #tpu.memory_space<hbm>>
          tpu.enqueue_dma source(%dma_start3A_34 : memref<624x128xf32, #tpu.memory_space<hbm>>) target(%dma_start3A_32 : memref<624x128xf32, #tpu.memory_space<vmem_shared>>) target_semaphore(%run_scoped3A : memref<!tpu.dma_semaphore, #tpu.memory_space<semaphore_mem>>)
          %dma_wait3A = arith.constant 0 : i32
          %dma_wait3A_35 = tpu.memref_slice %arg16[%mul3A_2, %dma_wait3A] : memref<10000x128xf32, #tpu.memory_space<vmem_shared>> -> memref<624x128xf32, #tpu.memory_space<vmem_shared>>
          %dma_wait3A_36 = arith.constant 0 : i32
          %dma_wait3A_37 = tpu.memref_slice %arg7[%mul3A_2, %dma_wait3A_36] : memref<10000x128xf32, #tpu.memory_space<hbm>> -> memref<624x128xf32, #tpu.memory_space<hbm>>
          tpu.wait_dma2 semaphore(%run_scoped3A : memref<!tpu.dma_semaphore, #tpu.memory_space<semaphore_mem>>) src(%dma_wait3A_37 : memref<624x128xf32, #tpu.memory_space<hbm>>) dst(%dma_wait3A_35 : memref<624x128xf32, #tpu.memory_space<vmem_shared>>)
          tpu.yield
        }) : () -> ()
      } else {
      }
      %ne3A = arith.constant 0 : i32
      %ne3A_28 = arith.cmpi ne, %arg0, %ne3A : i32
      %convert_element_type3A_29 = arith.extui %ne3A_28 : i1 to i32
      %cond3A_30 = arith.constant 0 : i32
      %cond3A_31 = arith.cmpi ne, %convert_element_type3A_29, %cond3A_30 : i32
      scf.if %cond3A_31 {
        "tpu.region"() ({
          %run_scoped3A = tpu.sem_alloc : memref<!tpu.dma_semaphore, #tpu.memory_space<semaphore_mem>>
          %dma_start3A = arith.constant 0 : i32
          %dma_start3A_32 = tpu.memref_slice %arg16[%mul3A_2, %dma_start3A] : memref<10000x128xf32, #tpu.memory_space<vmem_shared>> -> memref<624x128xf32, #tpu.memory_space<vmem_shared>>
          %dma_start3A_33 = arith.constant 0 : i32
          %dma_start3A_34 = tpu.memref_slice %arg8[%mul3A_2, %dma_start3A_33] : memref<10000x128xf32, #tpu.memory_space<hbm>> -> memref<624x128xf32, #tpu.memory_space<hbm>>
          tpu.enqueue_dma source(%dma_start3A_34 : memref<624x128xf32, #tpu.memory_space<hbm>>) target(%dma_start3A_32 : memref<624x128xf32, #tpu.memory_space<vmem_shared>>) target_semaphore(%run_scoped3A : memref<!tpu.dma_semaphore, #tpu.memory_space<semaphore_mem>>)
          %dma_wait3A = arith.constant 0 : i32
          %dma_wait3A_35 = tpu.memref_slice %arg16[%mul3A_2, %dma_wait3A] : memref<10000x128xf32, #tpu.memory_space<vmem_shared>> -> memref<624x128xf32, #tpu.memory_space<vmem_shared>>
          %dma_wait3A_36 = arith.constant 0 : i32
          %dma_wait3A_37 = tpu.memref_slice %arg8[%mul3A_2, %dma_wait3A_36] : memref<10000x128xf32, #tpu.memory_space<hbm>> -> memref<624x128xf32, #tpu.memory_space<hbm>>
          tpu.wait_dma2 semaphore(%run_scoped3A : memref<!tpu.dma_semaphore, #tpu.memory_space<semaphore_mem>>) src(%dma_wait3A_37 : memref<624x128xf32, #tpu.memory_space<hbm>>) dst(%dma_wait3A_35 : memref<624x128xf32, #tpu.memory_space<vmem_shared>>)
          tpu.yield
        }) : () -> ()
      } else {
      }
    } else {
    }
    %convert_element_type3A_6 = arith.extui %eq3A_3 : i1 to i32
    %cond3A_7 = arith.constant 0 : i32
    %cond3A_8 = arith.cmpi ne, %convert_element_type3A_6, %cond3A_7 : i32
    scf.if %cond3A_8 {
      %eq3A_23 = arith.constant 0 : i32
      %eq3A_24 = arith.cmpi eq, %arg0, %eq3A_23 : i32
      %convert_element_type3A_25 = arith.extui %eq3A_24 : i1 to i32
      %cond3A_26 = arith.constant 0 : i32
      %cond3A_27 = arith.cmpi ne, %convert_element_type3A_25, %cond3A_26 : i32
      scf.if %cond3A_27 {
        "tpu.region"() ({
          %run_scoped3A = tpu.sem_alloc : memref<!tpu.dma_semaphore, #tpu.memory_space<semaphore_mem>>
          %dma_start3A = arith.constant 0 : i32
          %dma_start3A_32 = tpu.memref_slice %arg16[%mul3A_2, %dma_start3A] : memref<10000x128xf32, #tpu.memory_space<vmem_shared>> -> memref<640x128xf32, #tpu.memory_space<vmem_shared>>
          %dma_start3A_33 = arith.constant 0 : i32
          %dma_start3A_34 = tpu.memref_slice %arg7[%mul3A_2, %dma_start3A_33] : memref<10000x128xf32, #tpu.memory_space<hbm>> -> memref<640x128xf32, #tpu.memory_space<hbm>>
          tpu.enqueue_dma source(%dma_start3A_34 : memref<640x128xf32, #tpu.memory_space<hbm>>) target(%dma_start3A_32 : memref<640x128xf32, #tpu.memory_space<vmem_shared>>) target_semaphore(%run_scoped3A : memref<!tpu.dma_semaphore, #tpu.memory_space<semaphore_mem>>)
          %dma_wait3A = arith.constant 0 : i32
          %dma_wait3A_35 = tpu.memref_slice %arg16[%mul3A_2, %dma_wait3A] : memref<10000x128xf32, #tpu.memory_space<vmem_shared>> -> memref<640x128xf32, #tpu.memory_space<vmem_shared>>
          %dma_wait3A_36 = arith.constant 0 : i32
          %dma_wait3A_37 = tpu.memref_slice %arg7[%mul3A_2, %dma_wait3A_36] : memref<10000x128xf32, #tpu.memory_space<hbm>> -> memref<640x128xf32, #tpu.memory_space<hbm>>
          tpu.wait_dma2 semaphore(%run_scoped3A : memref<!tpu.dma_semaphore, #tpu.memory_space<semaphore_mem>>) src(%dma_wait3A_37 : memref<640x128xf32, #tpu.memory_space<hbm>>) dst(%dma_wait3A_35 : memref<640x128xf32, #tpu.memory_space<vmem_shared>>)
          tpu.yield
        }) : () -> ()
      } else {
      }
      %ne3A = arith.constant 0 : i32
      %ne3A_28 = arith.cmpi ne, %arg0, %ne3A : i32
      %convert_element_type3A_29 = arith.extui %ne3A_28 : i1 to i32
      %cond3A_30 = arith.constant 0 : i32
      %cond3A_31 = arith.cmpi ne, %convert_element_type3A_29, %cond3A_30 : i32
      scf.if %cond3A_31 {
        "tpu.region"() ({
          %run_scoped3A = tpu.sem_alloc : memref<!tpu.dma_semaphore, #tpu.memory_space<semaphore_mem>>
          %dma_start3A = arith.constant 0 : i32
          %dma_start3A_32 = tpu.memref_slice %arg16[%mul3A_2, %dma_start3A] : memref<10000x128xf32, #tpu.memory_space<vmem_shared>> -> memref<640x128xf32, #tpu.memory_space<vmem_shared>>
          %dma_start3A_33 = arith.constant 0 : i32
          %dma_start3A_34 = tpu.memref_slice %arg8[%mul3A_2, %dma_start3A_33] : memref<10000x128xf32, #tpu.memory_space<hbm>> -> memref<640x128xf32, #tpu.memory_space<hbm>>
          tpu.enqueue_dma source(%dma_start3A_34 : memref<640x128xf32, #tpu.memory_space<hbm>>) target(%dma_start3A_32 : memref<640x128xf32, #tpu.memory_space<vmem_shared>>) target_semaphore(%run_scoped3A : memref<!tpu.dma_semaphore, #tpu.memory_space<semaphore_mem>>)
          %dma_wait3A = arith.constant 0 : i32
          %dma_wait3A_35 = tpu.memref_slice %arg16[%mul3A_2, %dma_wait3A] : memref<10000x128xf32, #tpu.memory_space<vmem_shared>> -> memref<640x128xf32, #tpu.memory_space<vmem_shared>>
          %dma_wait3A_36 = arith.constant 0 : i32
          %dma_wait3A_37 = tpu.memref_slice %arg8[%mul3A_2, %dma_wait3A_36] : memref<10000x128xf32, #tpu.memory_space<hbm>> -> memref<640x128xf32, #tpu.memory_space<hbm>>
          tpu.wait_dma2 semaphore(%run_scoped3A : memref<!tpu.dma_semaphore, #tpu.memory_space<semaphore_mem>>) src(%dma_wait3A_37 : memref<640x128xf32, #tpu.memory_space<hbm>>) dst(%dma_wait3A_35 : memref<640x128xf32, #tpu.memory_space<vmem_shared>>)
          tpu.yield
        }) : () -> ()
      } else {
      }
    } else {
    }
    %barrier3A = arith.constant 0 : index
    tpu.barrier barrier_id(%barrier3A)
    %scan3A = arith.constant 0 : i32
    %scan3A_9 = arith.constant 0 : i32
    %scan3A_10 = arith.constant 250 : i32
    %scan3A_11 = arith.addi %scan3A_9, %scan3A_10 : i32
    %scan3A_12 = arith.constant 1 : i32
    scf.for %scan3A_23 = %scan3A_9 to %scan3A_11 step %scan3A_12  : i32 {
      %mul3A_24 = arith.constant 10000 : i32
      %mul3A_25 = arith.muli %add3A, %mul3A_24 : i32
      %mul3A_26 = arith.constant 40 : i32
      %mul3A_27 = arith.muli %scan3A_23, %mul3A_26 : i32
      %add3A_28 = arith.addi %mul3A_25, %mul3A_27 : i32
      "tpu.region"() ({
        %run_scoped3A = tpu.sem_alloc : memref<!tpu.dma_semaphore, #tpu.memory_space<semaphore_mem>>
        %dma_start3A_45 = tpu.memref_slice %arg2[%add3A_28] : memref<320000xi32, #tpu.memory_space<hbm>> -> memref<40xi32, #tpu.memory_space<hbm>>
        %dma_start3A_46 = tpu.memref_slice %arg2[%add3A_28] : memref<320000xi32, #tpu.memory_space<hbm>> -> memref<40xi32, #tpu.memory_space<hbm>>
        tpu.enqueue_dma source(%dma_start3A_46 : memref<40xi32, #tpu.memory_space<hbm>>) target(%arg11 : memref<40xi32, #tpu.memory_space<vmem>>) target_semaphore(%run_scoped3A : memref<!tpu.dma_semaphore, #tpu.memory_space<semaphore_mem>>)
        %dma_wait3A_47 = tpu.memref_slice %arg2[%add3A_28] : memref<320000xi32, #tpu.memory_space<hbm>> -> memref<40xi32, #tpu.memory_space<hbm>>
        %dma_wait3A_48 = tpu.memref_slice %arg2[%add3A_28] : memref<320000xi32, #tpu.memory_space<hbm>> -> memref<40xi32, #tpu.memory_space<hbm>>
        tpu.wait_dma2 semaphore(%run_scoped3A : memref<!tpu.dma_semaphore, #tpu.memory_space<semaphore_mem>>) src(%dma_wait3A_48 : memref<40xi32, #tpu.memory_space<hbm>>) dst(%arg11 : memref<40xi32, #tpu.memory_space<vmem>>)
        tpu.yield
      }) : () -> ()
      "tpu.region"() ({
        %run_scoped3A = tpu.sem_alloc : memref<!tpu.dma_semaphore, #tpu.memory_space<semaphore_mem>>
        %dma_start3A_45 = tpu.memref_slice %arg3[%add3A_28] : memref<320000xi32, #tpu.memory_space<hbm>> -> memref<40xi32, #tpu.memory_space<hbm>>
        %dma_start3A_46 = tpu.memref_slice %arg3[%add3A_28] : memref<320000xi32, #tpu.memory_space<hbm>> -> memref<40xi32, #tpu.memory_space<hbm>>
        tpu.enqueue_dma source(%dma_start3A_46 : memref<40xi32, #tpu.memory_space<hbm>>) target(%arg12 : memref<40xi32, #tpu.memory_space<vmem>>) target_semaphore(%run_scoped3A : memref<!tpu.dma_semaphore, #tpu.memory_space<semaphore_mem>>)
        %dma_wait3A_47 = tpu.memref_slice %arg3[%add3A_28] : memref<320000xi32, #tpu.memory_space<hbm>> -> memref<40xi32, #tpu.memory_space<hbm>>
        %dma_wait3A_48 = tpu.memref_slice %arg3[%add3A_28] : memref<320000xi32, #tpu.memory_space<hbm>> -> memref<40xi32, #tpu.memory_space<hbm>>
        tpu.wait_dma2 semaphore(%run_scoped3A : memref<!tpu.dma_semaphore, #tpu.memory_space<semaphore_mem>>) src(%dma_wait3A_48 : memref<40xi32, #tpu.memory_space<hbm>>) dst(%arg12 : memref<40xi32, #tpu.memory_space<vmem>>)
        tpu.yield
      }) : () -> ()
      %dma_start3A = arith.constant 0 : i32
      %dma_start3A_29 = arith.constant 0 : i32
      %dma_start3A_30 = tpu.memref_slice %arg4[%dma_start3A, %dma_start3A_29] : memref<10000x128xf32, #tpu.memory_space<hbm>> -> memref<10000x128xf32, #tpu.memory_space<hbm>>
      tpu.enqueue_indirect_dma source(%dma_start3A_30 : memref<10000x128xf32, #tpu.memory_space<hbm>>) target(%arg13 : memref<40x128xf32, #tpu.memory_space<vmem>>) offsets(%arg12 : memref<40xi32, #tpu.memory_space<vmem>>) semaphore(%arg17 : memref<!tpu.dma_semaphore, #tpu.memory_space<semaphore_mem>>)
      %dma_start3A_31 = arith.constant 0 : i32
      %dma_start3A_32 = arith.constant 0 : i32
      %dma_start3A_33 = tpu.memref_slice %arg5[%dma_start3A_31, %dma_start3A_32] : memref<10000x256xf32, #tpu.memory_space<hbm>> -> memref<10000x256xf32, #tpu.memory_space<hbm>>
      tpu.enqueue_indirect_dma source(%dma_start3A_33 : memref<10000x256xf32, #tpu.memory_space<hbm>>) target(%arg14 : memref<40x256xf32, #tpu.memory_space<vmem>>) offsets(%arg11 : memref<40xi32, #tpu.memory_space<vmem>>) semaphore(%arg18 : memref<!tpu.dma_semaphore, #tpu.memory_space<semaphore_mem>>)
      "tpu.region"() ({
        %run_scoped3A = tpu.sem_alloc : memref<!tpu.dma_semaphore, #tpu.memory_space<semaphore_mem>>
        %dma_start3A_45 = arith.constant 0 : i32
        %dma_start3A_46 = tpu.memref_slice %arg6[%add3A_28, %dma_start3A_45] : memref<320000x256xf32, #tpu.memory_space<hbm>> -> memref<40x256xf32, #tpu.memory_space<hbm>>
        %dma_start3A_47 = arith.constant 0 : i32
        %dma_start3A_48 = tpu.memref_slice %arg6[%add3A_28, %dma_start3A_47] : memref<320000x256xf32, #tpu.memory_space<hbm>> -> memref<40x256xf32, #tpu.memory_space<hbm>>
        tpu.enqueue_dma source(%dma_start3A_48 : memref<40x256xf32, #tpu.memory_space<hbm>>) target(%arg15 : memref<40x256xf32, #tpu.memory_space<vmem>>) target_semaphore(%run_scoped3A : memref<!tpu.dma_semaphore, #tpu.memory_space<semaphore_mem>>)
        %dma_wait3A_49 = arith.constant 0 : i32
        %dma_wait3A_50 = tpu.memref_slice %arg6[%add3A_28, %dma_wait3A_49] : memref<320000x256xf32, #tpu.memory_space<hbm>> -> memref<40x256xf32, #tpu.memory_space<hbm>>
        %dma_wait3A_51 = arith.constant 0 : i32
        %dma_wait3A_52 = tpu.memref_slice %arg6[%add3A_28, %dma_wait3A_51] : memref<320000x256xf32, #tpu.memory_space<hbm>> -> memref<40x256xf32, #tpu.memory_space<hbm>>
        tpu.wait_dma2 semaphore(%run_scoped3A : memref<!tpu.dma_semaphore, #tpu.memory_space<semaphore_mem>>) src(%dma_wait3A_52 : memref<40x256xf32, #tpu.memory_space<hbm>>) dst(%arg15 : memref<40x256xf32, #tpu.memory_space<vmem>>)
        tpu.yield
      }) : () -> ()
      %dma_wait3A = arith.constant 0 : i32
      %dma_wait3A_34 = arith.constant 0 : i32
      %dma_wait3A_35 = tpu.memref_slice %arg4[%dma_wait3A, %dma_wait3A_34] : memref<10000x128xf32, #tpu.memory_space<hbm>> -> memref<10000x128xf32, #tpu.memory_space<hbm>>
      tpu.wait_indirect_dma semaphore(%arg17 : memref<!tpu.dma_semaphore, #tpu.memory_space<semaphore_mem>>) src(%dma_wait3A_35 : memref<10000x128xf32, #tpu.memory_space<hbm>>) dst(%arg13 : memref<40x128xf32, #tpu.memory_space<vmem>>)
      %dma_wait3A_36 = arith.constant 0 : i32
      %dma_wait3A_37 = arith.constant 0 : i32
      %dma_wait3A_38 = tpu.memref_slice %arg5[%dma_wait3A_36, %dma_wait3A_37] : memref<10000x256xf32, #tpu.memory_space<hbm>> -> memref<10000x256xf32, #tpu.memory_space<hbm>>
      tpu.wait_indirect_dma semaphore(%arg18 : memref<!tpu.dma_semaphore, #tpu.memory_space<semaphore_mem>>) src(%dma_wait3A_38 : memref<10000x256xf32, #tpu.memory_space<hbm>>) dst(%arg14 : memref<40x256xf32, #tpu.memory_space<vmem>>)
      %scan3A_39 = arith.constant 0 : i32
      %scan3A_40 = arith.constant 0 : i32
      %scan3A_41 = arith.constant 40 : i32
      %scan3A_42 = arith.addi %scan3A_40, %scan3A_41 : i32
      %scan3A_43 = arith.constant 1 : i32
      scf.for %scan3A_45 = %scan3A_40 to %scan3A_42 step %scan3A_43  : i32 {
        %get3A = arith.index_cast %scan3A_45 : i32 to index
        %get3A_46 = arith.constant 0 : index
        %get3A_47 = tpu.vector_load %arg13[%get3A, %get3A_46] {strides = array<i32>} : memref<40x128xf32, #tpu.memory_space<vmem>>, vector<1x16xf32>,
        %get3A_48 = vector.shape_cast %get3A_47 : vector<1x16xf32> to vector<16xf32>
        %get3A_49 = arith.index_cast %scan3A_45 : i32 to index
        %get3A_50 = arith.constant 0 : index
        %get3A_51 = tpu.vector_load %arg14[%get3A_49, %get3A_50] {strides = array<i32>} : memref<40x256xf32, #tpu.memory_space<vmem>>, vector<1x16xf32>,
        %get3A_52 = vector.shape_cast %get3A_51 : vector<1x16xf32> to vector<16xf32>
        %get3A_53 = arith.index_cast %scan3A_45 : i32 to index
        %get3A_54 = arith.constant 128 : index
        %get3A_55 = tpu.vector_load %arg14[%get3A_53, %get3A_54] {strides = array<i32>} : memref<40x256xf32, #tpu.memory_space<vmem>>, vector<1x16xf32>,
        %get3A_56 = vector.shape_cast %get3A_55 : vector<1x16xf32> to vector<16xf32>
        %get3A_57 = arith.index_cast %scan3A_45 : i32 to index
        %get3A_58 = arith.constant 0 : index
        %get3A_59 = tpu.vector_load %arg15[%get3A_57, %get3A_58] {strides = array<i32>} : memref<40x256xf32, #tpu.memory_space<vmem>>, vector<1x16xf32>,
        %get3A_60 = vector.shape_cast %get3A_59 : vector<1x16xf32> to vector<16xf32>
        %get3A_61 = arith.index_cast %scan3A_45 : i32 to index
        %get3A_62 = arith.constant 128 : index
        %get3A_63 = tpu.vector_load %arg15[%get3A_61, %get3A_62] {strides = array<i32>} : memref<40x256xf32, #tpu.memory_space<vmem>>, vector<1x16xf32>,
        %get3A_64 = vector.shape_cast %get3A_63 : vector<1x16xf32> to vector<16xf32>
        %add3A_65 = arith.addf %get3A_48, %get3A_52 : vector<16xf32>
        %add3A_66 = arith.addf %add3A_65, %get3A_60 : vector<16xf32>
        %neg3A = arith.constant 0.000000e+00 : f32
        %neg3A_67 = vector.broadcast %neg3A : f32 to vector<16xf32>
        %neg3A_68 = arith.subf %neg3A_67, %add3A_66 : vector<16xf32>
        %exp3A = math.exp %neg3A_68 : vector<16xf32>
        %add3A_69 = arith.constant 1.000000e+00 : f32
        %add3A_70 = vector.broadcast %add3A_69 : f32 to vector<16xf32>
        %add3A_71 = arith.addf %add3A_70, %exp3A : vector<16xf32>
        %div3A = arith.constant 1.000000e+00 : f32
        %div3A_72 = vector.broadcast %div3A : f32 to vector<16xf32>
        %div3A_73 = arith.divf %div3A_72, %add3A_71 : vector<16xf32>
        %add3A_74 = arith.addf %get3A_56, %get3A_64 : vector<16xf32>
        %mul3A_75 = arith.mulf %div3A_73, %add3A_74 : vector<16xf32>
        %swap3A = arith.index_cast %scan3A_45 : i32 to index
        %swap3A_76 = arith.constant 0 : index
        %swap3A_77 = tpu.vector_load %arg13[%swap3A, %swap3A_76] {strides = array<i32>} : memref<40x128xf32, #tpu.memory_space<vmem>>, vector<1x16xf32>,
        %swap3A_78 = vector.shape_cast %swap3A_77 : vector<1x16xf32> to vector<16xf32>
        %swap3A_79 = vector.shape_cast %mul3A_75 : vector<16xf32> to vector<1x16xf32>
        tpu.vector_store %arg13[%swap3A, %swap3A_76], %swap3A_79 {strides = array<i32>} : memref<40x128xf32, #tpu.memory_space<vmem>>, vector<1x16xf32>,
        %get3A_80 = arith.index_cast %scan3A_45 : i32 to index
        %get3A_81 = arith.constant 16 : index
        %get3A_82 = tpu.vector_load %arg13[%get3A_80, %get3A_81] {strides = array<i32>} : memref<40x128xf32, #tpu.memory_space<vmem>>, vector<1x16xf32>,
        %get3A_83 = vector.shape_cast %get3A_82 : vector<1x16xf32> to vector<16xf32>
        %get3A_84 = arith.index_cast %scan3A_45 : i32 to index
        %get3A_85 = arith.constant 16 : index
        %get3A_86 = tpu.vector_load %arg14[%get3A_84, %get3A_85] {strides = array<i32>} : memref<40x256xf32, #tpu.memory_space<vmem>>, vector<1x16xf32>,
        %get3A_87 = vector.shape_cast %get3A_86 : vector<1x16xf32> to vector<16xf32>
        %get3A_88 = arith.index_cast %scan3A_45 : i32 to index
        %get3A_89 = arith.constant 144 : index
        %get3A_90 = tpu.vector_load %arg14[%get3A_88, %get3A_89] {strides = array<i32>} : memref<40x256xf32, #tpu.memory_space<vmem>>, vector<1x16xf32>,
        %get3A_91 = vector.shape_cast %get3A_90 : vector<1x16xf32> to vector<16xf32>
        %get3A_92 = arith.index_cast %scan3A_45 : i32 to index
        %get3A_93 = arith.constant 16 : index
        %get3A_94 = tpu.vector_load %arg15[%get3A_92, %get3A_93] {strides = array<i32>} : memref<40x256xf32, #tpu.memory_space<vmem>>, vector<1x16xf32>,
        %get3A_95 = vector.shape_cast %get3A_94 : vector<1x16xf32> to vector<16xf32>
        %get3A_96 = arith.index_cast %scan3A_45 : i32 to index
        %get3A_97 = arith.constant 144 : index
        %get3A_98 = tpu.vector_load %arg15[%get3A_96, %get3A_97] {strides = array<i32>} : memref<40x256xf32, #tpu.memory_space<vmem>>, vector<1x16xf32>,
        %get3A_99 = vector.shape_cast %get3A_98 : vector<1x16xf32> to vector<16xf32>
        %add3A_100 = arith.addf %get3A_83, %get3A_87 : vector<16xf32>
        %add3A_101 = arith.addf %add3A_100, %get3A_95 : vector<16xf32>
        %neg3A_102 = arith.constant 0.000000e+00 : f32
        %neg3A_103 = vector.broadcast %neg3A_102 : f32 to vector<16xf32>
        %neg3A_104 = arith.subf %neg3A_103, %add3A_101 : vector<16xf32>
        %exp3A_105 = math.exp %neg3A_104 : vector<16xf32>
        %add3A_106 = arith.constant 1.000000e+00 : f32
        %add3A_107 = vector.broadcast %add3A_106 : f32 to vector<16xf32>
        %add3A_108 = arith.addf %add3A_107, %exp3A_105 : vector<16xf32>
        %div3A_109 = arith.constant 1.000000e+00 : f32
        %div3A_110 = vector.broadcast %div3A_109 : f32 to vector<16xf32>
        %div3A_111 = arith.divf %div3A_110, %add3A_108 : vector<16xf32>
        %add3A_112 = arith.addf %get3A_91, %get3A_99 : vector<16xf32>
        %mul3A_113 = arith.mulf %div3A_111, %add3A_112 : vector<16xf32>
        %swap3A_114 = arith.index_cast %scan3A_45 : i32 to index
        %swap3A_115 = arith.constant 16 : index
        %swap3A_116 = tpu.vector_load %arg13[%swap3A_114, %swap3A_115] {strides = array<i32>} : memref<40x128xf32, #tpu.memory_space<vmem>>, vector<1x16xf32>,
        %swap3A_117 = vector.shape_cast %swap3A_116 : vector<1x16xf32> to vector<16xf32>
        %swap3A_118 = vector.shape_cast %mul3A_113 : vector<16xf32> to vector<1x16xf32>
        tpu.vector_store %arg13[%swap3A_114, %swap3A_115], %swap3A_118 {strides = array<i32>} : memref<40x128xf32, #tpu.memory_space<vmem>>, vector<1x16xf32>,
        %get3A_119 = arith.index_cast %scan3A_45 : i32 to index
        %get3A_120 = arith.constant 32 : index
        %get3A_121 = tpu.vector_load %arg13[%get3A_119, %get3A_120] {strides = array<i32>} : memref<40x128xf32, #tpu.memory_space<vmem>>, vector<1x16xf32>,
        %get3A_122 = vector.shape_cast %get3A_121 : vector<1x16xf32> to vector<16xf32>
        %get3A_123 = arith.index_cast %scan3A_45 : i32 to index
        %get3A_124 = arith.constant 32 : index
        %get3A_125 = tpu.vector_load %arg14[%get3A_123, %get3A_124] {strides = array<i32>} : memref<40x256xf32, #tpu.memory_space<vmem>>, vector<1x16xf32>,
        %get3A_126 = vector.shape_cast %get3A_125 : vector<1x16xf32> to vector<16xf32>
        %get3A_127 = arith.index_cast %scan3A_45 : i32 to index
        %get3A_128 = arith.constant 160 : index
        %get3A_129 = tpu.vector_load %arg14[%get3A_127, %get3A_128] {strides = array<i32>} : memref<40x256xf32, #tpu.memory_space<vmem>>, vector<1x16xf32>,
        %get3A_130 = vector.shape_cast %get3A_129 : vector<1x16xf32> to vector<16xf32>
        %get3A_131 = arith.index_cast %scan3A_45 : i32 to index
        %get3A_132 = arith.constant 32 : index
        %get3A_133 = tpu.vector_load %arg15[%get3A_131, %get3A_132] {strides = array<i32>} : memref<40x256xf32, #tpu.memory_space<vmem>>, vector<1x16xf32>,
        %get3A_134 = vector.shape_cast %get3A_133 : vector<1x16xf32> to vector<16xf32>
        %get3A_135 = arith.index_cast %scan3A_45 : i32 to index
        %get3A_136 = arith.constant 160 : index
        %get3A_137 = tpu.vector_load %arg15[%get3A_135, %get3A_136] {strides = array<i32>} : memref<40x256xf32, #tpu.memory_space<vmem>>, vector<1x16xf32>,
        %get3A_138 = vector.shape_cast %get3A_137 : vector<1x16xf32> to vector<16xf32>
        %add3A_139 = arith.addf %get3A_122, %get3A_126 : vector<16xf32>
        %add3A_140 = arith.addf %add3A_139, %get3A_134 : vector<16xf32>
        %neg3A_141 = arith.constant 0.000000e+00 : f32
        %neg3A_142 = vector.broadcast %neg3A_141 : f32 to vector<16xf32>
        %neg3A_143 = arith.subf %neg3A_142, %add3A_140 : vector<16xf32>
        %exp3A_144 = math.exp %neg3A_143 : vector<16xf32>
        %add3A_145 = arith.constant 1.000000e+00 : f32
        %add3A_146 = vector.broadcast %add3A_145 : f32 to vector<16xf32>
        %add3A_147 = arith.addf %add3A_146, %exp3A_144 : vector<16xf32>
        %div3A_148 = arith.constant 1.000000e+00 : f32
        %div3A_149 = vector.broadcast %div3A_148 : f32 to vector<16xf32>
        %div3A_150 = arith.divf %div3A_149, %add3A_147 : vector<16xf32>
        %add3A_151 = arith.addf %get3A_130, %get3A_138 : vector<16xf32>
        %mul3A_152 = arith.mulf %div3A_150, %add3A_151 : vector<16xf32>
        %swap3A_153 = arith.index_cast %scan3A_45 : i32 to index
        %swap3A_154 = arith.constant 32 : index
        %swap3A_155 = tpu.vector_load %arg13[%swap3A_153, %swap3A_154] {strides = array<i32>} : memref<40x128xf32, #tpu.memory_space<vmem>>, vector<1x16xf32>,
        %swap3A_156 = vector.shape_cast %swap3A_155 : vector<1x16xf32> to vector<16xf32>
        %swap3A_157 = vector.shape_cast %mul3A_152 : vector<16xf32> to vector<1x16xf32>
        tpu.vector_store %arg13[%swap3A_153, %swap3A_154], %swap3A_157 {strides = array<i32>} : memref<40x128xf32, #tpu.memory_space<vmem>>, vector<1x16xf32>,
        %get3A_158 = arith.index_cast %scan3A_45 : i32 to index
        %get3A_159 = arith.constant 48 : index
        %get3A_160 = tpu.vector_load %arg13[%get3A_158, %get3A_159] {strides = array<i32>} : memref<40x128xf32, #tpu.memory_space<vmem>>, vector<1x16xf32>,
        %get3A_161 = vector.shape_cast %get3A_160 : vector<1x16xf32> to vector<16xf32>
        %get3A_162 = arith.index_cast %scan3A_45 : i32 to index
        %get3A_163 = arith.constant 48 : index
        %get3A_164 = tpu.vector_load %arg14[%get3A_162, %get3A_163] {strides = array<i32>} : memref<40x256xf32, #tpu.memory_space<vmem>>, vector<1x16xf32>,
        %get3A_165 = vector.shape_cast %get3A_164 : vector<1x16xf32> to vector<16xf32>
        %get3A_166 = arith.index_cast %scan3A_45 : i32 to index
        %get3A_167 = arith.constant 176 : index
        %get3A_168 = tpu.vector_load %arg14[%get3A_166, %get3A_167] {strides = array<i32>} : memref<40x256xf32, #tpu.memory_space<vmem>>, vector<1x16xf32>,
        %get3A_169 = vector.shape_cast %get3A_168 : vector<1x16xf32> to vector<16xf32>
        %get3A_170 = arith.index_cast %scan3A_45 : i32 to index
        %get3A_171 = arith.constant 48 : index
        %get3A_172 = tpu.vector_load %arg15[%get3A_170, %get3A_171] {strides = array<i32>} : memref<40x256xf32, #tpu.memory_space<vmem>>, vector<1x16xf32>,
        %get3A_173 = vector.shape_cast %get3A_172 : vector<1x16xf32> to vector<16xf32>
        %get3A_174 = arith.index_cast %scan3A_45 : i32 to index
        %get3A_175 = arith.constant 176 : index
        %get3A_176 = tpu.vector_load %arg15[%get3A_174, %get3A_175] {strides = array<i32>} : memref<40x256xf32, #tpu.memory_space<vmem>>, vector<1x16xf32>,
        %get3A_177 = vector.shape_cast %get3A_176 : vector<1x16xf32> to vector<16xf32>
        %add3A_178 = arith.addf %get3A_161, %get3A_165 : vector<16xf32>
        %add3A_179 = arith.addf %add3A_178, %get3A_173 : vector<16xf32>
        %neg3A_180 = arith.constant 0.000000e+00 : f32
        %neg3A_181 = vector.broadcast %neg3A_180 : f32 to vector<16xf32>
        %neg3A_182 = arith.subf %neg3A_181, %add3A_179 : vector<16xf32>
        %exp3A_183 = math.exp %neg3A_182 : vector<16xf32>
        %add3A_184 = arith.constant 1.000000e+00 : f32
        %add3A_185 = vector.broadcast %add3A_184 : f32 to vector<16xf32>
        %add3A_186 = arith.addf %add3A_185, %exp3A_183 : vector<16xf32>
        %div3A_187 = arith.constant 1.000000e+00 : f32
        %div3A_188 = vector.broadcast %div3A_187 : f32 to vector<16xf32>
        %div3A_189 = arith.divf %div3A_188, %add3A_186 : vector<16xf32>
        %add3A_190 = arith.addf %get3A_169, %get3A_177 : vector<16xf32>
        %mul3A_191 = arith.mulf %div3A_189, %add3A_190 : vector<16xf32>
        %swap3A_192 = arith.index_cast %scan3A_45 : i32 to index
        %swap3A_193 = arith.constant 48 : index
        %swap3A_194 = tpu.vector_load %arg13[%swap3A_192, %swap3A_193] {strides = array<i32>} : memref<40x128xf32, #tpu.memory_space<vmem>>, vector<1x16xf32>,
        %swap3A_195 = vector.shape_cast %swap3A_194 : vector<1x16xf32> to vector<16xf32>
        %swap3A_196 = vector.shape_cast %mul3A_191 : vector<16xf32> to vector<1x16xf32>
        tpu.vector_store %arg13[%swap3A_192, %swap3A_193], %swap3A_196 {strides = array<i32>} : memref<40x128xf32, #tpu.memory_space<vmem>>, vector<1x16xf32>,
        %get3A_197 = arith.index_cast %scan3A_45 : i32 to index
        %get3A_198 = arith.constant 64 : index
        %get3A_199 = tpu.vector_load %arg13[%get3A_197, %get3A_198] {strides = array<i32>} : memref<40x128xf32, #tpu.memory_space<vmem>>, vector<1x16xf32>,
        %get3A_200 = vector.shape_cast %get3A_199 : vector<1x16xf32> to vector<16xf32>
        %get3A_201 = arith.index_cast %scan3A_45 : i32 to index
        %get3A_202 = arith.constant 64 : index
        %get3A_203 = tpu.vector_load %arg14[%get3A_201, %get3A_202] {strides = array<i32>} : memref<40x256xf32, #tpu.memory_space<vmem>>, vector<1x16xf32>,
        %get3A_204 = vector.shape_cast %get3A_203 : vector<1x16xf32> to vector<16xf32>
        %get3A_205 = arith.index_cast %scan3A_45 : i32 to index
        %get3A_206 = arith.constant 192 : index
        %get3A_207 = tpu.vector_load %arg14[%get3A_205, %get3A_206] {strides = array<i32>} : memref<40x256xf32, #tpu.memory_space<vmem>>, vector<1x16xf32>,
        %get3A_208 = vector.shape_cast %get3A_207 : vector<1x16xf32> to vector<16xf32>
        %get3A_209 = arith.index_cast %scan3A_45 : i32 to index
        %get3A_210 = arith.constant 64 : index
        %get3A_211 = tpu.vector_load %arg15[%get3A_209, %get3A_210] {strides = array<i32>} : memref<40x256xf32, #tpu.memory_space<vmem>>, vector<1x16xf32>,
        %get3A_212 = vector.shape_cast %get3A_211 : vector<1x16xf32> to vector<16xf32>
        %get3A_213 = arith.index_cast %scan3A_45 : i32 to index
        %get3A_214 = arith.constant 192 : index
        %get3A_215 = tpu.vector_load %arg15[%get3A_213, %get3A_214] {strides = array<i32>} : memref<40x256xf32, #tpu.memory_space<vmem>>, vector<1x16xf32>,
        %get3A_216 = vector.shape_cast %get3A_215 : vector<1x16xf32> to vector<16xf32>
        %add3A_217 = arith.addf %get3A_200, %get3A_204 : vector<16xf32>
        %add3A_218 = arith.addf %add3A_217, %get3A_212 : vector<16xf32>
        %neg3A_219 = arith.constant 0.000000e+00 : f32
        %neg3A_220 = vector.broadcast %neg3A_219 : f32 to vector<16xf32>
        %neg3A_221 = arith.subf %neg3A_220, %add3A_218 : vector<16xf32>
        %exp3A_222 = math.exp %neg3A_221 : vector<16xf32>
        %add3A_223 = arith.constant 1.000000e+00 : f32
        %add3A_224 = vector.broadcast %add3A_223 : f32 to vector<16xf32>
        %add3A_225 = arith.addf %add3A_224, %exp3A_222 : vector<16xf32>
        %div3A_226 = arith.constant 1.000000e+00 : f32
        %div3A_227 = vector.broadcast %div3A_226 : f32 to vector<16xf32>
        %div3A_228 = arith.divf %div3A_227, %add3A_225 : vector<16xf32>
        %add3A_229 = arith.addf %get3A_208, %get3A_216 : vector<16xf32>
        %mul3A_230 = arith.mulf %div3A_228, %add3A_229 : vector<16xf32>
        %swap3A_231 = arith.index_cast %scan3A_45 : i32 to index
        %swap3A_232 = arith.constant 64 : index
        %swap3A_233 = tpu.vector_load %arg13[%swap3A_231, %swap3A_232] {strides = array<i32>} : memref<40x128xf32, #tpu.memory_space<vmem>>, vector<1x16xf32>,
        %swap3A_234 = vector.shape_cast %swap3A_233 : vector<1x16xf32> to vector<16xf32>
        %swap3A_235 = vector.shape_cast %mul3A_230 : vector<16xf32> to vector<1x16xf32>
        tpu.vector_store %arg13[%swap3A_231, %swap3A_232], %swap3A_235 {strides = array<i32>} : memref<40x128xf32, #tpu.memory_space<vmem>>, vector<1x16xf32>,
        %get3A_236 = arith.index_cast %scan3A_45 : i32 to index
        %get3A_237 = arith.constant 80 : index
        %get3A_238 = tpu.vector_load %arg13[%get3A_236, %get3A_237] {strides = array<i32>} : memref<40x128xf32, #tpu.memory_space<vmem>>, vector<1x16xf32>,
        %get3A_239 = vector.shape_cast %get3A_238 : vector<1x16xf32> to vector<16xf32>
        %get3A_240 = arith.index_cast %scan3A_45 : i32 to index
        %get3A_241 = arith.constant 80 : index
        %get3A_242 = tpu.vector_load %arg14[%get3A_240, %get3A_241] {strides = array<i32>} : memref<40x256xf32, #tpu.memory_space<vmem>>, vector<1x16xf32>,
        %get3A_243 = vector.shape_cast %get3A_242 : vector<1x16xf32> to vector<16xf32>
        %get3A_244 = arith.index_cast %scan3A_45 : i32 to index
        %get3A_245 = arith.constant 208 : index
        %get3A_246 = tpu.vector_load %arg14[%get3A_244, %get3A_245] {strides = array<i32>} : memref<40x256xf32, #tpu.memory_space<vmem>>, vector<1x16xf32>,
        %get3A_247 = vector.shape_cast %get3A_246 : vector<1x16xf32> to vector<16xf32>
        %get3A_248 = arith.index_cast %scan3A_45 : i32 to index
        %get3A_249 = arith.constant 80 : index
        %get3A_250 = tpu.vector_load %arg15[%get3A_248, %get3A_249] {strides = array<i32>} : memref<40x256xf32, #tpu.memory_space<vmem>>, vector<1x16xf32>,
        %get3A_251 = vector.shape_cast %get3A_250 : vector<1x16xf32> to vector<16xf32>
        %get3A_252 = arith.index_cast %scan3A_45 : i32 to index
        %get3A_253 = arith.constant 208 : index
        %get3A_254 = tpu.vector_load %arg15[%get3A_252, %get3A_253] {strides = array<i32>} : memref<40x256xf32, #tpu.memory_space<vmem>>, vector<1x16xf32>,
        %get3A_255 = vector.shape_cast %get3A_254 : vector<1x16xf32> to vector<16xf32>
        %add3A_256 = arith.addf %get3A_239, %get3A_243 : vector<16xf32>
        %add3A_257 = arith.addf %add3A_256, %get3A_251 : vector<16xf32>
        %neg3A_258 = arith.constant 0.000000e+00 : f32
        %neg3A_259 = vector.broadcast %neg3A_258 : f32 to vector<16xf32>
        %neg3A_260 = arith.subf %neg3A_259, %add3A_257 : vector<16xf32>
        %exp3A_261 = math.exp %neg3A_260 : vector<16xf32>
        %add3A_262 = arith.constant 1.000000e+00 : f32
        %add3A_263 = vector.broadcast %add3A_262 : f32 to vector<16xf32>
        %add3A_264 = arith.addf %add3A_263, %exp3A_261 : vector<16xf32>
        %div3A_265 = arith.constant 1.000000e+00 : f32
        %div3A_266 = vector.broadcast %div3A_265 : f32 to vector<16xf32>
        %div3A_267 = arith.divf %div3A_266, %add3A_264 : vector<16xf32>
        %add3A_268 = arith.addf %get3A_247, %get3A_255 : vector<16xf32>
        %mul3A_269 = arith.mulf %div3A_267, %add3A_268 : vector<16xf32>
        %swap3A_270 = arith.index_cast %scan3A_45 : i32 to index
        %swap3A_271 = arith.constant 80 : index
        %swap3A_272 = tpu.vector_load %arg13[%swap3A_270, %swap3A_271] {strides = array<i32>} : memref<40x128xf32, #tpu.memory_space<vmem>>, vector<1x16xf32>,
        %swap3A_273 = vector.shape_cast %swap3A_272 : vector<1x16xf32> to vector<16xf32>
        %swap3A_274 = vector.shape_cast %mul3A_269 : vector<16xf32> to vector<1x16xf32>
        tpu.vector_store %arg13[%swap3A_270, %swap3A_271], %swap3A_274 {strides = array<i32>} : memref<40x128xf32, #tpu.memory_space<vmem>>, vector<1x16xf32>,
        %get3A_275 = arith.index_cast %scan3A_45 : i32 to index
        %get3A_276 = arith.constant 96 : index
        %get3A_277 = tpu.vector_load %arg13[%get3A_275, %get3A_276] {strides = array<i32>} : memref<40x128xf32, #tpu.memory_space<vmem>>, vector<1x16xf32>,
        %get3A_278 = vector.shape_cast %get3A_277 : vector<1x16xf32> to vector<16xf32>
        %get3A_279 = arith.index_cast %scan3A_45 : i32 to index
        %get3A_280 = arith.constant 96 : index
        %get3A_281 = tpu.vector_load %arg14[%get3A_279, %get3A_280] {strides = array<i32>} : memref<40x256xf32, #tpu.memory_space<vmem>>, vector<1x16xf32>,
        %get3A_282 = vector.shape_cast %get3A_281 : vector<1x16xf32> to vector<16xf32>
        %get3A_283 = arith.index_cast %scan3A_45 : i32 to index
        %get3A_284 = arith.constant 224 : index
        %get3A_285 = tpu.vector_load %arg14[%get3A_283, %get3A_284] {strides = array<i32>} : memref<40x256xf32, #tpu.memory_space<vmem>>, vector<1x16xf32>,
        %get3A_286 = vector.shape_cast %get3A_285 : vector<1x16xf32> to vector<16xf32>
        %get3A_287 = arith.index_cast %scan3A_45 : i32 to index
        %get3A_288 = arith.constant 96 : index
        %get3A_289 = tpu.vector_load %arg15[%get3A_287, %get3A_288] {strides = array<i32>} : memref<40x256xf32, #tpu.memory_space<vmem>>, vector<1x16xf32>,
        %get3A_290 = vector.shape_cast %get3A_289 : vector<1x16xf32> to vector<16xf32>
        %get3A_291 = arith.index_cast %scan3A_45 : i32 to index
        %get3A_292 = arith.constant 224 : index
        %get3A_293 = tpu.vector_load %arg15[%get3A_291, %get3A_292] {strides = array<i32>} : memref<40x256xf32, #tpu.memory_space<vmem>>, vector<1x16xf32>,
        %get3A_294 = vector.shape_cast %get3A_293 : vector<1x16xf32> to vector<16xf32>
        %add3A_295 = arith.addf %get3A_278, %get3A_282 : vector<16xf32>
        %add3A_296 = arith.addf %add3A_295, %get3A_290 : vector<16xf32>
        %neg3A_297 = arith.constant 0.000000e+00 : f32
        %neg3A_298 = vector.broadcast %neg3A_297 : f32 to vector<16xf32>
        %neg3A_299 = arith.subf %neg3A_298, %add3A_296 : vector<16xf32>
        %exp3A_300 = math.exp %neg3A_299 : vector<16xf32>
        %add3A_301 = arith.constant 1.000000e+00 : f32
        %add3A_302 = vector.broadcast %add3A_301 : f32 to vector<16xf32>
        %add3A_303 = arith.addf %add3A_302, %exp3A_300 : vector<16xf32>
        %div3A_304 = arith.constant 1.000000e+00 : f32
        %div3A_305 = vector.broadcast %div3A_304 : f32 to vector<16xf32>
        %div3A_306 = arith.divf %div3A_305, %add3A_303 : vector<16xf32>
        %add3A_307 = arith.addf %get3A_286, %get3A_294 : vector<16xf32>
        %mul3A_308 = arith.mulf %div3A_306, %add3A_307 : vector<16xf32>
        %swap3A_309 = arith.index_cast %scan3A_45 : i32 to index
        %swap3A_310 = arith.constant 96 : index
        %swap3A_311 = tpu.vector_load %arg13[%swap3A_309, %swap3A_310] {strides = array<i32>} : memref<40x128xf32, #tpu.memory_space<vmem>>, vector<1x16xf32>,
        %swap3A_312 = vector.shape_cast %swap3A_311 : vector<1x16xf32> to vector<16xf32>
        %swap3A_313 = vector.shape_cast %mul3A_308 : vector<16xf32> to vector<1x16xf32>
        tpu.vector_store %arg13[%swap3A_309, %swap3A_310], %swap3A_313 {strides = array<i32>} : memref<40x128xf32, #tpu.memory_space<vmem>>, vector<1x16xf32>,
        %get3A_314 = arith.index_cast %scan3A_45 : i32 to index
        %get3A_315 = arith.constant 112 : index
        %get3A_316 = tpu.vector_load %arg13[%get3A_314, %get3A_315] {strides = array<i32>} : memref<40x128xf32, #tpu.memory_space<vmem>>, vector<1x16xf32>,
        %get3A_317 = vector.shape_cast %get3A_316 : vector<1x16xf32> to vector<16xf32>
        %get3A_318 = arith.index_cast %scan3A_45 : i32 to index
        %get3A_319 = arith.constant 112 : index
        %get3A_320 = tpu.vector_load %arg14[%get3A_318, %get3A_319] {strides = array<i32>} : memref<40x256xf32, #tpu.memory_space<vmem>>, vector<1x16xf32>,
        %get3A_321 = vector.shape_cast %get3A_320 : vector<1x16xf32> to vector<16xf32>
        %get3A_322 = arith.index_cast %scan3A_45 : i32 to index
        %get3A_323 = arith.constant 240 : index
        %get3A_324 = tpu.vector_load %arg14[%get3A_322, %get3A_323] {strides = array<i32>} : memref<40x256xf32, #tpu.memory_space<vmem>>, vector<1x16xf32>,
        %get3A_325 = vector.shape_cast %get3A_324 : vector<1x16xf32> to vector<16xf32>
        %get3A_326 = arith.index_cast %scan3A_45 : i32 to index
        %get3A_327 = arith.constant 112 : index
        %get3A_328 = tpu.vector_load %arg15[%get3A_326, %get3A_327] {strides = array<i32>} : memref<40x256xf32, #tpu.memory_space<vmem>>, vector<1x16xf32>,
        %get3A_329 = vector.shape_cast %get3A_328 : vector<1x16xf32> to vector<16xf32>
        %get3A_330 = arith.index_cast %scan3A_45 : i32 to index
        %get3A_331 = arith.constant 240 : index
        %get3A_332 = tpu.vector_load %arg15[%get3A_330, %get3A_331] {strides = array<i32>} : memref<40x256xf32, #tpu.memory_space<vmem>>, vector<1x16xf32>,
        %get3A_333 = vector.shape_cast %get3A_332 : vector<1x16xf32> to vector<16xf32>
        %add3A_334 = arith.addf %get3A_317, %get3A_321 : vector<16xf32>
        %add3A_335 = arith.addf %add3A_334, %get3A_329 : vector<16xf32>
        %neg3A_336 = arith.constant 0.000000e+00 : f32
        %neg3A_337 = vector.broadcast %neg3A_336 : f32 to vector<16xf32>
        %neg3A_338 = arith.subf %neg3A_337, %add3A_335 : vector<16xf32>
        %exp3A_339 = math.exp %neg3A_338 : vector<16xf32>
        %add3A_340 = arith.constant 1.000000e+00 : f32
        %add3A_341 = vector.broadcast %add3A_340 : f32 to vector<16xf32>
        %add3A_342 = arith.addf %add3A_341, %exp3A_339 : vector<16xf32>
        %div3A_343 = arith.constant 1.000000e+00 : f32
        %div3A_344 = vector.broadcast %div3A_343 : f32 to vector<16xf32>
        %div3A_345 = arith.divf %div3A_344, %add3A_342 : vector<16xf32>
        %add3A_346 = arith.addf %get3A_325, %get3A_333 : vector<16xf32>
        %mul3A_347 = arith.mulf %div3A_345, %add3A_346 : vector<16xf32>
        %swap3A_348 = arith.index_cast %scan3A_45 : i32 to index
        %swap3A_349 = arith.constant 112 : index
        %swap3A_350 = tpu.vector_load %arg13[%swap3A_348, %swap3A_349] {strides = array<i32>} : memref<40x128xf32, #tpu.memory_space<vmem>>, vector<1x16xf32>,
        %swap3A_351 = vector.shape_cast %swap3A_350 : vector<1x16xf32> to vector<16xf32>
        %swap3A_352 = vector.shape_cast %mul3A_347 : vector<16xf32> to vector<1x16xf32>
        tpu.vector_store %arg13[%swap3A_348, %swap3A_349], %swap3A_352 {strides = array<i32>} : memref<40x128xf32, #tpu.memory_space<vmem>>, vector<1x16xf32>,
      }
      %scan3A_44 = arith.constant 40 : i32
      "tpu.region"() ({
        %run_scoped3A = tpu.sem_alloc : memref<!tpu.dma_semaphore, #tpu.memory_space<semaphore_mem>>
        %dma_start3A_45 = arith.constant 0 : i32
        %dma_start3A_46 = arith.constant 0 : i32
        %dma_start3A_47 = tpu.memref_slice %arg16[%dma_start3A_45, %dma_start3A_46] : memref<10000x128xf32, #tpu.memory_space<vmem_shared>> -> memref<10000x128xf32, #tpu.memory_space<vmem_shared>>
        tpu.enqueue_indirect_dma source(%arg13 : memref<40x128xf32, #tpu.memory_space<vmem>>) target(%dma_start3A_47 : memref<10000x128xf32, #tpu.memory_space<vmem_shared>>) offsets(%arg12 : memref<40xi32, #tpu.memory_space<vmem>>) semaphore(%run_scoped3A : memref<!tpu.dma_semaphore, #tpu.memory_space<semaphore_mem>>) {add = true}
        %dma_wait3A_48 = arith.constant 0 : i32
        %dma_wait3A_49 = arith.constant 0 : i32
        %dma_wait3A_50 = tpu.memref_slice %arg16[%dma_wait3A_48, %dma_wait3A_49] : memref<10000x128xf32, #tpu.memory_space<vmem_shared>> -> memref<10000x128xf32, #tpu.memory_space<vmem_shared>>
        tpu.wait_indirect_dma semaphore(%run_scoped3A : memref<!tpu.dma_semaphore, #tpu.memory_space<semaphore_mem>>) src(%arg13 : memref<40x128xf32, #tpu.memory_space<vmem>>) dst(%dma_wait3A_50 : memref<10000x128xf32, #tpu.memory_space<vmem_shared>>)
        tpu.yield
      }) : () -> ()
    }
    %scan3A_13 = arith.constant 250 : i32
    %barrier3A_14 = arith.constant 0 : index
    tpu.barrier barrier_id(%barrier3A_14)
    %not3A_15 = arith.constant true
    %not3A_16 = arith.xori %eq3A_3, %not3A_15 : i1
    %convert_element_type3A_17 = arith.extui %not3A_16 : i1 to i32
    %cond3A_18 = arith.constant 0 : i32
    %cond3A_19 = arith.cmpi ne, %convert_element_type3A_17, %cond3A_18 : i32
    scf.if %cond3A_19 {
      %eq3A_23 = arith.constant 0 : i32
      %eq3A_24 = arith.cmpi eq, %arg0, %eq3A_23 : i32
      %convert_element_type3A_25 = arith.extui %eq3A_24 : i1 to i32
      %cond3A_26 = arith.constant 0 : i32
      %cond3A_27 = arith.cmpi ne, %convert_element_type3A_25, %cond3A_26 : i32
      scf.if %cond3A_27 {
        "tpu.region"() ({
          %run_scoped3A = tpu.sem_alloc : memref<!tpu.dma_semaphore, #tpu.memory_space<semaphore_mem>>
          %dma_start3A = arith.constant 0 : i32
          %dma_start3A_32 = tpu.memref_slice %arg9[%mul3A_2, %dma_start3A] : memref<10000x128xf32, #tpu.memory_space<hbm>> -> memref<624x128xf32, #tpu.memory_space<hbm>>
          %dma_start3A_33 = arith.constant 0 : i32
          %dma_start3A_34 = tpu.memref_slice %arg16[%mul3A_2, %dma_start3A_33] : memref<10000x128xf32, #tpu.memory_space<vmem_shared>> -> memref<624x128xf32, #tpu.memory_space<vmem_shared>>
          tpu.enqueue_dma source(%dma_start3A_34 : memref<624x128xf32, #tpu.memory_space<vmem_shared>>) target(%dma_start3A_32 : memref<624x128xf32, #tpu.memory_space<hbm>>) target_semaphore(%run_scoped3A : memref<!tpu.dma_semaphore, #tpu.memory_space<semaphore_mem>>)
          %dma_wait3A = arith.constant 0 : i32
          %dma_wait3A_35 = tpu.memref_slice %arg9[%mul3A_2, %dma_wait3A] : memref<10000x128xf32, #tpu.memory_space<hbm>> -> memref<624x128xf32, #tpu.memory_space<hbm>>
          %dma_wait3A_36 = arith.constant 0 : i32
          %dma_wait3A_37 = tpu.memref_slice %arg16[%mul3A_2, %dma_wait3A_36] : memref<10000x128xf32, #tpu.memory_space<vmem_shared>> -> memref<624x128xf32, #tpu.memory_space<vmem_shared>>
          tpu.wait_dma2 semaphore(%run_scoped3A : memref<!tpu.dma_semaphore, #tpu.memory_space<semaphore_mem>>) src(%dma_wait3A_37 : memref<624x128xf32, #tpu.memory_space<vmem_shared>>) dst(%dma_wait3A_35 : memref<624x128xf32, #tpu.memory_space<hbm>>)
          tpu.yield
        }) : () -> ()
      } else {
      }
      %ne3A = arith.constant 0 : i32
      %ne3A_28 = arith.cmpi ne, %arg0, %ne3A : i32
      %convert_element_type3A_29 = arith.extui %ne3A_28 : i1 to i32
      %cond3A_30 = arith.constant 0 : i32
      %cond3A_31 = arith.cmpi ne, %convert_element_type3A_29, %cond3A_30 : i32
      scf.if %cond3A_31 {
        "tpu.region"() ({
          %run_scoped3A = tpu.sem_alloc : memref<!tpu.dma_semaphore, #tpu.memory_space<semaphore_mem>>
          %dma_start3A = arith.constant 0 : i32
          %dma_start3A_32 = tpu.memref_slice %arg10[%mul3A_2, %dma_start3A] : memref<10000x128xf32, #tpu.memory_space<hbm>> -> memref<624x128xf32, #tpu.memory_space<hbm>>
          %dma_start3A_33 = arith.constant 0 : i32
          %dma_start3A_34 = tpu.memref_slice %arg16[%mul3A_2, %dma_start3A_33] : memref<10000x128xf32, #tpu.memory_space<vmem_shared>> -> memref<624x128xf32, #tpu.memory_space<vmem_shared>>
          tpu.enqueue_dma source(%dma_start3A_34 : memref<624x128xf32, #tpu.memory_space<vmem_shared>>) target(%dma_start3A_32 : memref<624x128xf32, #tpu.memory_space<hbm>>) target_semaphore(%run_scoped3A : memref<!tpu.dma_semaphore, #tpu.memory_space<semaphore_mem>>)
          %dma_wait3A = arith.constant 0 : i32
          %dma_wait3A_35 = tpu.memref_slice %arg10[%mul3A_2, %dma_wait3A] : memref<10000x128xf32, #tpu.memory_space<hbm>> -> memref<624x128xf32, #tpu.memory_space<hbm>>
          %dma_wait3A_36 = arith.constant 0 : i32
          %dma_wait3A_37 = tpu.memref_slice %arg16[%mul3A_2, %dma_wait3A_36] : memref<10000x128xf32, #tpu.memory_space<vmem_shared>> -> memref<624x128xf32, #tpu.memory_space<vmem_shared>>
          tpu.wait_dma2 semaphore(%run_scoped3A : memref<!tpu.dma_semaphore, #tpu.memory_space<semaphore_mem>>) src(%dma_wait3A_37 : memref<624x128xf32, #tpu.memory_space<vmem_shared>>) dst(%dma_wait3A_35 : memref<624x128xf32, #tpu.memory_space<hbm>>)
          tpu.yield
        }) : () -> ()
      } else {
      }
    } else {
    }
    %convert_element_type3A_20 = arith.extui %eq3A_3 : i1 to i32
    %cond3A_21 = arith.constant 0 : i32
    %cond3A_22 = arith.cmpi ne, %convert_element_type3A_20, %cond3A_21 : i32
    scf.if %cond3A_22 {
      %eq3A_23 = arith.constant 0 : i32
      %eq3A_24 = arith.cmpi eq, %arg0, %eq3A_23 : i32
      %convert_element_type3A_25 = arith.extui %eq3A_24 : i1 to i32
      %cond3A_26 = arith.constant 0 : i32
      %cond3A_27 = arith.cmpi ne, %convert_element_type3A_25, %cond3A_26 : i32
      scf.if %cond3A_27 {
        "tpu.region"() ({
          %run_scoped3A = tpu.sem_alloc : memref<!tpu.dma_semaphore, #tpu.memory_space<semaphore_mem>>
          %dma_start3A = arith.constant 0 : i32
          %dma_start3A_32 = tpu.memref_slice %arg9[%mul3A_2, %dma_start3A] : memref<10000x128xf32, #tpu.memory_space<hbm>> -> memref<640x128xf32, #tpu.memory_space<hbm>>
          %dma_start3A_33 = arith.constant 0 : i32
          %dma_start3A_34 = tpu.memref_slice %arg16[%mul3A_2, %dma_start3A_33] : memref<10000x128xf32, #tpu.memory_space<vmem_shared>> -> memref<640x128xf32, #tpu.memory_space<vmem_shared>>
          tpu.enqueue_dma source(%dma_start3A_34 : memref<640x128xf32, #tpu.memory_space<vmem_shared>>) target(%dma_start3A_32 : memref<640x128xf32, #tpu.memory_space<hbm>>) target_semaphore(%run_scoped3A : memref<!tpu.dma_semaphore, #tpu.memory_space<semaphore_mem>>)
          %dma_wait3A = arith.constant 0 : i32
          %dma_wait3A_35 = tpu.memref_slice %arg9[%mul3A_2, %dma_wait3A] : memref<10000x128xf32, #tpu.memory_space<hbm>> -> memref<640x128xf32, #tpu.memory_space<hbm>>
          %dma_wait3A_36 = arith.constant 0 : i32
          %dma_wait3A_37 = tpu.memref_slice %arg16[%mul3A_2, %dma_wait3A_36] : memref<10000x128xf32, #tpu.memory_space<vmem_shared>> -> memref<640x128xf32, #tpu.memory_space<vmem_shared>>
          tpu.wait_dma2 semaphore(%run_scoped3A : memref<!tpu.dma_semaphore, #tpu.memory_space<semaphore_mem>>) src(%dma_wait3A_37 : memref<640x128xf32, #tpu.memory_space<vmem_shared>>) dst(%dma_wait3A_35 : memref<640x128xf32, #tpu.memory_space<hbm>>)
          tpu.yield
        }) : () -> ()
      } else {
      }
      %ne3A = arith.constant 0 : i32
      %ne3A_28 = arith.cmpi ne, %arg0, %ne3A : i32
      %convert_element_type3A_29 = arith.extui %ne3A_28 : i1 to i32
      %cond3A_30 = arith.constant 0 : i32
      %cond3A_31 = arith.cmpi ne, %convert_element_type3A_29, %cond3A_30 : i32
      scf.if %cond3A_31 {
        "tpu.region"() ({
          %run_scoped3A = tpu.sem_alloc : memref<!tpu.dma_semaphore, #tpu.memory_space<semaphore_mem>>
          %dma_start3A = arith.constant 0 : i32
          %dma_start3A_32 = tpu.memref_slice %arg10[%mul3A_2, %dma_start3A] : memref<10000x128xf32, #tpu.memory_space<hbm>> -> memref<640x128xf32, #tpu.memory_space<hbm>>
          %dma_start3A_33 = arith.constant 0 : i32
          %dma_start3A_34 = tpu.memref_slice %arg16[%mul3A_2, %dma_start3A_33] : memref<10000x128xf32, #tpu.memory_space<vmem_shared>> -> memref<640x128xf32, #tpu.memory_space<vmem_shared>>
          tpu.enqueue_dma source(%dma_start3A_34 : memref<640x128xf32, #tpu.memory_space<vmem_shared>>) target(%dma_start3A_32 : memref<640x128xf32, #tpu.memory_space<hbm>>) target_semaphore(%run_scoped3A : memref<!tpu.dma_semaphore, #tpu.memory_space<semaphore_mem>>)
          %dma_wait3A = arith.constant 0 : i32
          %dma_wait3A_35 = tpu.memref_slice %arg10[%mul3A_2, %dma_wait3A] : memref<10000x128xf32, #tpu.memory_space<hbm>> -> memref<640x128xf32, #tpu.memory_space<hbm>>
          %dma_wait3A_36 = arith.constant 0 : i32
          %dma_wait3A_37 = tpu.memref_slice %arg16[%mul3A_2, %dma_wait3A_36] : memref<10000x128xf32, #tpu.memory_space<vmem_shared>> -> memref<640x128xf32, #tpu.memory_space<vmem_shared>>
          tpu.wait_dma2 semaphore(%run_scoped3A : memref<!tpu.dma_semaphore, #tpu.memory_space<semaphore_mem>>) src(%dma_wait3A_37 : memref<640x128xf32, #tpu.memory_space<vmem_shared>>) dst(%dma_wait3A_35 : memref<640x128xf32, #tpu.memory_space<hbm>>)
          tpu.yield
        }) : () -> ()
      } else {
      }
    } else {
    }
    return
  }
}

module attributes {stable_mosaic.version = 14 : i64} {
  func.func @_node_proj_body(%arg0: i32, %arg1: memref<1000x128xf32, #tpu.memory_space<vmem>>, %arg2: memref<128x128xf32, #tpu.memory_space<vmem>>, %arg3: memref<128x128xf32, #tpu.memory_space<vmem>>, %arg4: memref<128x128xf32, #tpu.memory_space<vmem>>, %arg5: memref<128x128xf32, #tpu.memory_space<vmem>>, %arg6: memref<1x128xf32, #tpu.memory_space<vmem>>, %arg7: memref<1000x128xf32, #tpu.memory_space<vmem>>, %arg8: memref<1000x256xf32, #tpu.memory_space<vmem>>, %arg9: memref<1000x128xf32, #tpu.memory_space<vmem>>) attributes {dimension_semantics = [#tpu.dimension_semantics<arbitrary>], iteration_bounds = array<i64: 10>, scalar_prefetch = 0 : i64, scratch_operands = 0 : i64, tpu.core_type = #tpu.core_type<tc>, window_params = [{transform_indices = @transform_0, window_bounds = array<i64: 1000, 128>}, {pipeline_mode = #tpu.pipeline_mode<synchronous>, transform_indices = @transform_1, window_bounds = array<i64: 128, 128>}, {pipeline_mode = #tpu.pipeline_mode<synchronous>, transform_indices = @transform_2, window_bounds = array<i64: 128, 128>}, {pipeline_mode = #tpu.pipeline_mode<synchronous>, transform_indices = @transform_3, window_bounds = array<i64: 128, 128>}, {pipeline_mode = #tpu.pipeline_mode<synchronous>, transform_indices = @transform_4, window_bounds = array<i64: 128, 128>}, {pipeline_mode = #tpu.pipeline_mode<synchronous>, transform_indices = @transform_5, window_bounds = array<i64: 1, 128>}, {transform_indices = @transform_6, window_bounds = array<i64: 1000, 128>}, {transform_indices = @transform_7, window_bounds = array<i64: 1000, 256>}, {transform_indices = @transform_8, window_bounds = array<i64: 1000, 128>}]} {
    %get3A = arith.constant 0 : index
    %get3A_0 = arith.constant 0 : index
    %get3A_1 = vector.load %arg1[%get3A, %get3A_0] : memref<1000x128xf32, #tpu.memory_space<vmem>>, vector<1000x128xf32>
    %get3A_2 = arith.constant 0 : index
    %get3A_3 = arith.constant 0 : index
    %get3A_4 = vector.load %arg2[%get3A_2, %get3A_3] : memref<128x128xf32, #tpu.memory_space<vmem>>, vector<128x128xf32>
    %dot_general3A = arith.constant dense<0.000000e+00> : vector<1000x128xf32>
    %dot_general3A_5 = tpu.matmul %get3A_1, %get3A_4, %dot_general3A {dimension_numbers = #tpu.dot_dimension_numbers<[1], [0], [0], [1], [0, 0, 1, 1], [], []>, transpose_lhs_hint = false} : vector<1000x128xf32>, vector<128x128xf32>, vector<1000x128xf32> -> vector<1000x128xf32>
    %swap3A = arith.constant 0 : index
    %swap3A_6 = arith.constant 0 : index
    %swap3A_7 = vector.load %arg7[%swap3A, %swap3A_6] : memref<1000x128xf32, #tpu.memory_space<vmem>>, vector<1000x128xf32>
    tpu.vector_store %arg7[%swap3A, %swap3A_6], %dot_general3A_5 {strides = array<i32>} : memref<1000x128xf32, #tpu.memory_space<vmem>>, vector<1000x128xf32>,
    %get3A_8 = arith.constant 0 : index
    %get3A_9 = arith.constant 0 : index
    %get3A_10 = vector.load %arg3[%get3A_8, %get3A_9] : memref<128x128xf32, #tpu.memory_space<vmem>>, vector<128x128xf32>
    %dot_general3A_11 = arith.constant dense<0.000000e+00> : vector<1000x128xf32>
    %dot_general3A_12 = tpu.matmul %get3A_1, %get3A_10, %dot_general3A_11 {dimension_numbers = #tpu.dot_dimension_numbers<[1], [0], [0], [1], [0, 0, 1, 1], [], []>, transpose_lhs_hint = false} : vector<1000x128xf32>, vector<128x128xf32>, vector<1000x128xf32> -> vector<1000x128xf32>
    %swap3A_13 = arith.constant 0 : index
    %swap3A_14 = arith.constant 0 : index
    %swap3A_15 = vector.load %arg8[%swap3A_13, %swap3A_14] : memref<1000x256xf32, #tpu.memory_space<vmem>>, vector<1000x128xf32>
    tpu.vector_store %arg8[%swap3A_13, %swap3A_14], %dot_general3A_12 {strides = array<i32>} : memref<1000x256xf32, #tpu.memory_space<vmem>>, vector<1000x128xf32>,
    %get3A_16 = arith.constant 0 : index
    %get3A_17 = arith.constant 0 : index
    %get3A_18 = vector.load %arg4[%get3A_16, %get3A_17] : memref<128x128xf32, #tpu.memory_space<vmem>>, vector<128x128xf32>
    %dot_general3A_19 = arith.constant dense<0.000000e+00> : vector<1000x128xf32>
    %dot_general3A_20 = tpu.matmul %get3A_1, %get3A_18, %dot_general3A_19 {dimension_numbers = #tpu.dot_dimension_numbers<[1], [0], [0], [1], [0, 0, 1, 1], [], []>, transpose_lhs_hint = false} : vector<1000x128xf32>, vector<128x128xf32>, vector<1000x128xf32> -> vector<1000x128xf32>
    %swap3A_21 = arith.constant 0 : index
    %swap3A_22 = arith.constant 128 : index
    %swap3A_23 = vector.load %arg8[%swap3A_21, %swap3A_22] : memref<1000x256xf32, #tpu.memory_space<vmem>>, vector<1000x128xf32>
    tpu.vector_store %arg8[%swap3A_21, %swap3A_22], %dot_general3A_20 {strides = array<i32>} : memref<1000x256xf32, #tpu.memory_space<vmem>>, vector<1000x128xf32>,
    %get3A_24 = arith.constant 0 : index
    %get3A_25 = arith.constant 0 : index
    %get3A_26 = vector.load %arg5[%get3A_24, %get3A_25] : memref<128x128xf32, #tpu.memory_space<vmem>>, vector<128x128xf32>
    %dot_general3A_27 = arith.constant dense<0.000000e+00> : vector<1000x128xf32>
    %dot_general3A_28 = tpu.matmul %get3A_1, %get3A_26, %dot_general3A_27 {dimension_numbers = #tpu.dot_dimension_numbers<[1], [0], [0], [1], [0, 0, 1, 1], [], []>, transpose_lhs_hint = false} : vector<1000x128xf32>, vector<128x128xf32>, vector<1000x128xf32> -> vector<1000x128xf32>
    %get3A_29 = arith.constant 0 : index
    %get3A_30 = arith.constant 0 : index
    %get3A_31 = vector.load %arg6[%get3A_29, %get3A_30] : memref<1x128xf32, #tpu.memory_space<vmem>>, vector<1x128xf32>
    %add3A = vector.broadcast %get3A_31 : vector<1x128xf32> to vector<1000x128xf32>
    %add3A_32 = arith.addf %dot_general3A_28, %add3A : vector<1000x128xf32>
    %swap3A_33 = arith.constant 0 : index
    %swap3A_34 = arith.constant 0 : index
    %swap3A_35 = vector.load %arg9[%swap3A_33, %swap3A_34] : memref<1000x128xf32, #tpu.memory_space<vmem>>, vector<1000x128xf32>
    tpu.vector_store %arg9[%swap3A_33, %swap3A_34], %add3A_32 {strides = array<i32>} : memref<1000x128xf32, #tpu.memory_space<vmem>>, vector<1000x128xf32>,
    return
  }
  func.func @transform_0(%arg0: i32) -> (i32, i32) {
    %c0_i32 = arith.constant 0 : i32
    %c0_i32_0 = arith.constant 0 : i32
    return %arg0, %c0_i32 : i32, i32
  }
  func.func @transform_1(%arg0: i32) -> (i32, i32) {
    %c0_i32 = arith.constant 0 : i32
    %c0_i32_0 = arith.constant 0 : i32
    %c0_i32_1 = arith.constant 0 : i32
    return %c0_i32, %c0_i32_0 : i32, i32
  }
  func.func @transform_2(%arg0: i32) -> (i32, i32) {
    %c0_i32 = arith.constant 0 : i32
    %c0_i32_0 = arith.constant 0 : i32
    %c0_i32_1 = arith.constant 0 : i32
    return %c0_i32, %c0_i32_0 : i32, i32
  }
  func.func @transform_3(%arg0: i32) -> (i32, i32) {
    %c0_i32 = arith.constant 0 : i32
    %c0_i32_0 = arith.constant 0 : i32
    %c0_i32_1 = arith.constant 0 : i32
    return %c0_i32, %c0_i32_0 : i32, i32
  }
  func.func @transform_4(%arg0: i32) -> (i32, i32) {
    %c0_i32 = arith.constant 0 : i32
    %c0_i32_0 = arith.constant 0 : i32
    %c0_i32_1 = arith.constant 0 : i32
    return %c0_i32, %c0_i32_0 : i32, i32
  }
  func.func @transform_5(%arg0: i32) -> (i32, i32) {
    %c0_i32 = arith.constant 0 : i32
    %c0_i32_0 = arith.constant 0 : i32
    %c0_i32_1 = arith.constant 0 : i32
    return %c0_i32, %c0_i32_0 : i32, i32
  }
  func.func @transform_6(%arg0: i32) -> (i32, i32) {
    %c0_i32 = arith.constant 0 : i32
    %c0_i32_0 = arith.constant 0 : i32
    return %arg0, %c0_i32 : i32, i32
  }
  func.func @transform_7(%arg0: i32) -> (i32, i32) {
    %c0_i32 = arith.constant 0 : i32
    %c0_i32_0 = arith.constant 0 : i32
    return %arg0, %c0_i32 : i32, i32
  }
  func.func @transform_8(%arg0: i32) -> (i32, i32) {
    %c0_i32 = arith.constant 0 : i32
    %c0_i32_0 = arith.constant 0 : i32
    return %arg0, %c0_i32 : i32, i32
  }
}

module attributes {stable_mosaic.version = 14 : i64} {
  func.func @_edge_proj_body(%arg0: i32, %arg1: memref<4000x16xf32, #tpu.memory_space<vmem>>, %arg2: memref<16x128xf32, #tpu.memory_space<vmem>>, %arg3: memref<16x128xf32, #tpu.memory_space<vmem>>, %arg4: memref<16x128xf32, #tpu.memory_space<vmem>>, %arg5: memref<1x128xf32, #tpu.memory_space<vmem>>, %arg6: memref<1x128xf32, #tpu.memory_space<vmem>>, %arg7: memref<4000x256xf32, #tpu.memory_space<vmem>>) attributes {dimension_semantics = [#tpu.dimension_semantics<arbitrary>], iteration_bounds = array<i64: 80>, scalar_prefetch = 0 : i64, scratch_operands = 0 : i64, tpu.core_type = #tpu.core_type<tc>, window_params = [{transform_indices = @transform_0, window_bounds = array<i64: 4000, 16>}, {pipeline_mode = #tpu.pipeline_mode<synchronous>, transform_indices = @transform_1, window_bounds = array<i64: 16, 128>}, {pipeline_mode = #tpu.pipeline_mode<synchronous>, transform_indices = @transform_2, window_bounds = array<i64: 16, 128>}, {pipeline_mode = #tpu.pipeline_mode<synchronous>, transform_indices = @transform_3, window_bounds = array<i64: 16, 128>}, {pipeline_mode = #tpu.pipeline_mode<synchronous>, transform_indices = @transform_4, window_bounds = array<i64: 1, 128>}, {pipeline_mode = #tpu.pipeline_mode<synchronous>, transform_indices = @transform_5, window_bounds = array<i64: 1, 128>}, {transform_indices = @transform_6, window_bounds = array<i64: 4000, 256>}]} {
    %get3A = arith.constant 0 : index
    %get3A_0 = arith.constant 0 : index
    %get3A_1 = vector.load %arg1[%get3A, %get3A_0] : memref<4000x16xf32, #tpu.memory_space<vmem>>, vector<4000x16xf32>
    %get3A_2 = arith.constant 0 : index
    %get3A_3 = arith.constant 0 : index
    %get3A_4 = vector.load %arg2[%get3A_2, %get3A_3] : memref<16x128xf32, #tpu.memory_space<vmem>>, vector<16x128xf32>
    %get3A_5 = arith.constant 0 : index
    %get3A_6 = arith.constant 0 : index
    %get3A_7 = vector.load %arg3[%get3A_5, %get3A_6] : memref<16x128xf32, #tpu.memory_space<vmem>>, vector<16x128xf32>
    %add3A = arith.addf %get3A_4, %get3A_7 : vector<16x128xf32>
    %dot_general3A = arith.constant dense<0.000000e+00> : vector<4000x128xf32>
    %dot_general3A_8 = tpu.matmul %get3A_1, %add3A, %dot_general3A {dimension_numbers = #tpu.dot_dimension_numbers<[1], [0], [0], [1], [0, 0, 1, 1], [], []>, transpose_lhs_hint = false} : vector<4000x16xf32>, vector<16x128xf32>, vector<4000x128xf32> -> vector<4000x128xf32>
    %get3A_9 = arith.constant 0 : index
    %get3A_10 = arith.constant 0 : index
    %get3A_11 = vector.load %arg5[%get3A_9, %get3A_10] : memref<1x128xf32, #tpu.memory_space<vmem>>, vector<1x128xf32>
    %add3A_12 = vector.broadcast %get3A_11 : vector<1x128xf32> to vector<4000x128xf32>
    %add3A_13 = arith.addf %dot_general3A_8, %add3A_12 : vector<4000x128xf32>
    %swap3A = arith.constant 0 : index
    %swap3A_14 = arith.constant 0 : index
    %swap3A_15 = vector.load %arg7[%swap3A, %swap3A_14] : memref<4000x256xf32, #tpu.memory_space<vmem>>, vector<4000x128xf32>
    tpu.vector_store %arg7[%swap3A, %swap3A_14], %add3A_13 {strides = array<i32>} : memref<4000x256xf32, #tpu.memory_space<vmem>>, vector<4000x128xf32>,
    %get3A_16 = arith.constant 0 : index
    %get3A_17 = arith.constant 0 : index
    %get3A_18 = vector.load %arg4[%get3A_16, %get3A_17] : memref<16x128xf32, #tpu.memory_space<vmem>>, vector<16x128xf32>
    %dot_general3A_19 = arith.constant dense<0.000000e+00> : vector<4000x128xf32>
    %dot_general3A_20 = tpu.matmul %get3A_1, %get3A_18, %dot_general3A_19 {dimension_numbers = #tpu.dot_dimension_numbers<[1], [0], [0], [1], [0, 0, 1, 1], [], []>, transpose_lhs_hint = false} : vector<4000x16xf32>, vector<16x128xf32>, vector<4000x128xf32> -> vector<4000x128xf32>
    %get3A_21 = arith.constant 0 : index
    %get3A_22 = arith.constant 0 : index
    %get3A_23 = vector.load %arg6[%get3A_21, %get3A_22] : memref<1x128xf32, #tpu.memory_space<vmem>>, vector<1x128xf32>
    %add3A_24 = vector.broadcast %get3A_23 : vector<1x128xf32> to vector<4000x128xf32>
    %add3A_25 = arith.addf %dot_general3A_20, %add3A_24 : vector<4000x128xf32>
    %swap3A_26 = arith.constant 0 : index
    %swap3A_27 = arith.constant 128 : index
    %swap3A_28 = vector.load %arg7[%swap3A_26, %swap3A_27] : memref<4000x256xf32, #tpu.memory_space<vmem>>, vector<4000x128xf32>
    tpu.vector_store %arg7[%swap3A_26, %swap3A_27], %add3A_25 {strides = array<i32>} : memref<4000x256xf32, #tpu.memory_space<vmem>>, vector<4000x128xf32>,
    return
  }
  func.func @transform_0(%arg0: i32) -> (i32, i32) {
    %c0_i32 = arith.constant 0 : i32
    %c0_i32_0 = arith.constant 0 : i32
    return %arg0, %c0_i32 : i32, i32
  }
  func.func @transform_1(%arg0: i32) -> (i32, i32) {
    %c0_i32 = arith.constant 0 : i32
    %c0_i32_0 = arith.constant 0 : i32
    %c0_i32_1 = arith.constant 0 : i32
    return %c0_i32, %c0_i32_0 : i32, i32
  }
  func.func @transform_2(%arg0: i32) -> (i32, i32) {
    %c0_i32 = arith.constant 0 : i32
    %c0_i32_0 = arith.constant 0 : i32
    %c0_i32_1 = arith.constant 0 : i32
    return %c0_i32, %c0_i32_0 : i32, i32
  }
  func.func @transform_3(%arg0: i32) -> (i32, i32) {
    %c0_i32 = arith.constant 0 : i32
    %c0_i32_0 = arith.constant 0 : i32
    %c0_i32_1 = arith.constant 0 : i32
    return %c0_i32, %c0_i32_0 : i32, i32
  }
  func.func @transform_4(%arg0: i32) -> (i32, i32) {
    %c0_i32 = arith.constant 0 : i32
    %c0_i32_0 = arith.constant 0 : i32
    %c0_i32_1 = arith.constant 0 : i32
    return %c0_i32, %c0_i32_0 : i32, i32
  }
  func.func @transform_5(%arg0: i32) -> (i32, i32) {
    %c0_i32 = arith.constant 0 : i32
    %c0_i32_0 = arith.constant 0 : i32
    %c0_i32_1 = arith.constant 0 : i32
    return %c0_i32, %c0_i32_0 : i32, i32
  }
  func.func @transform_6(%arg0: i32) -> (i32, i32) {
    %c0_i32 = arith.constant 0 : i32
    %c0_i32_0 = arith.constant 0 : i32
    return %arg0, %c0_i32 : i32, i32
  }
}

module attributes {stable_mosaic.version = 14 : i64} {
  func.func @_add2_body(%arg0: i32, %arg1: memref<1000x128xf32, #tpu.memory_space<vmem>>, %arg2: memref<1000x128xf32, #tpu.memory_space<vmem>>, %arg3: memref<1000x128xf32, #tpu.memory_space<vmem>>) attributes {dimension_semantics = [#tpu.dimension_semantics<arbitrary>], iteration_bounds = array<i64: 10>, scalar_prefetch = 0 : i64, scratch_operands = 0 : i64, tpu.core_type = #tpu.core_type<tc>, window_params = [{transform_indices = @transform_0, window_bounds = array<i64: 1000, 128>}, {transform_indices = @transform_1, window_bounds = array<i64: 1000, 128>}, {transform_indices = @transform_2, window_bounds = array<i64: 1000, 128>}]} {
    %get3A = arith.constant 0 : index
    %get3A_0 = arith.constant 0 : index
    %get3A_1 = vector.load %arg1[%get3A, %get3A_0] : memref<1000x128xf32, #tpu.memory_space<vmem>>, vector<1000x128xf32>
    %get3A_2 = arith.constant 0 : index
    %get3A_3 = arith.constant 0 : index
    %get3A_4 = vector.load %arg2[%get3A_2, %get3A_3] : memref<1000x128xf32, #tpu.memory_space<vmem>>, vector<1000x128xf32>
    %add3A = arith.addf %get3A_1, %get3A_4 : vector<1000x128xf32>
    %swap3A = arith.constant 0 : index
    %swap3A_5 = arith.constant 0 : index
    %swap3A_6 = vector.load %arg3[%swap3A, %swap3A_5] : memref<1000x128xf32, #tpu.memory_space<vmem>>, vector<1000x128xf32>
    tpu.vector_store %arg3[%swap3A, %swap3A_5], %add3A {strides = array<i32>} : memref<1000x128xf32, #tpu.memory_space<vmem>>, vector<1000x128xf32>,
    return
  }
  func.func @transform_0(%arg0: i32) -> (i32, i32) {
    %c0_i32 = arith.constant 0 : i32
    %c0_i32_0 = arith.constant 0 : i32
    return %arg0, %c0_i32 : i32, i32
  }
  func.func @transform_1(%arg0: i32) -> (i32, i32) {
    %c0_i32 = arith.constant 0 : i32
    %c0_i32_0 = arith.constant 0 : i32
    return %arg0, %c0_i32 : i32, i32
  }
  func.func @transform_2(%arg0: i32) -> (i32, i32) {
    %c0_i32 = arith.constant 0 : i32
    %c0_i32_0 = arith.constant 0 : i32
    return %arg0, %c0_i32 : i32, i32
  }
}

</mosaic_0001>

<sc_bundles>
// kernel: kernel.6.cloned.1.call-start
scs
__scs_entry_jumppad:
0x0: {  	(pc) =	sbr.rel $0x88, $3  }
0x1: {  	(tag) =	ssettag $0x0;
	lr =	simm.s32 $0x1  }
0x2: {  	[smem:$0x3F96] =	sst lr;
	_ =	strace $0xD0000000  }
0x3: {  	_ = 	snop  }
0x4: {  	_ = 	snop  }
0x5: {  	_ = 	snop  }
0x6: {  	_ = 	snop  }
0x7: {  	_ = 	snop  }
__scs_overlays_trampoline_lowered:
0x8: {  	[smem:$0x3FA5] =	sst s0  }
0x9: {  	[smem:$0x3FA6] =	sst s1  }
0xa: {  	[smem:$0x3FA7] =	sst s2  }
0xb: {  	[smem:$0x3FA8] =	sst s3  }
0xc: {  	[smem:$0x3FA9] =	sst s4  }
0xd: {  	[smem:$0x3FAA] =	sst s5  }
0xe: {  	[smem:$0x3FAB] =	sst s6  }
0xf: {  	[smem:$0x3FAC] =	sst s7  }
0x10: {  	[smem:$0x3FAD] =	sst s8  }
0x11: {  	[smem:$0x3FAE] =	sst s9;
	s0 =	simm.s32 @!p0 $0x0  }
0x12: {  	s1 =	sld [smem:$0x3F94];
	s0 =	simm.s32 @p0 $0x1  }
0x13: {  	[smem:$0x3FAF] =	sst s0;
	s0 =	simm.s32 @!p1 $0x0  }
0x14: {  	s2 =	sld [smem:$0x3F93];
	s0 =	simm.s32 @p1 $0x1  }
0x15: {  	[smem:$0x3FB0] =	sst s0;
	s0 =	simm.s32 @!p2 $0x0  }
0x16: {  	s3 =	sld [smem:$0x3FDB];
	s0 =	simm.s32 @p2 $0x1  }
0x17: {  	s4 =	simm.s32 $0x1BF5;
	[smem:$0x3FB2] =	sst s0  }
0x18: {  	s0 =	sld [smem:$0x3F95];
	_ =	swait.ge [sflag:s4], $0x0  }
0x19: {  	s7 =	sld [smem:$0x3F96]  }
0x1a: {  	s8 =	sadd.s32 $0xFFFFE003, lr  }
0x1b: {  	s9 =	sadd.s32 $0xFFFFFEF7, lr;
	s5 =	simm.s32 $0xFFFFFFFF;
	p2 =	slt.u32 s8, $0xFFFFF086  }
0x1c: {  	p1 =	slt.u32 s9, $0xF7A;
	s5 =	simm.s32 @!p2 $0x0  }
0x1d: {  	s5 =	simm.s32 @p1 $0x1;
	p0 =	seq.s32 s7, s2  }
0x1e: {  	s7 =	smul.u32 @!p0 $0xF7A, s2;
	p2 =	seq.s32 @!p0 s5, $0x0  }
0x1f: {  	s9 =	smul.u32 $0xF7A, s1;
	s8 =	simm.s32 @!p0 $0x1BF5;
	p2 =	por !p2, p0  }
0x20: {  	[sflag:s8] =	ssyncset.s32 @!p0 $0xFFFFF086;
	s6 =	sadd.s32 @!p0 s3, s7;
	s7 =	simm.s32 @!p0 $0x108  }
0x21: {  	s3 =	sadd.s32 s3, s9;
	s6 =	sadd.s32 @!p0 $0x88, s6;
	s7 =	simm.s32 @p2 $0x1082  }
0x22: {  	[simem:s7], [sflag:s8] =	dma.local @!p0 [hbm:s6], $0xF7A  }
0x23: {  	s9 =	sor.u32 $0xD0000000, s2;
	s6 =	simm.s32 $0x108;
	_ =	swait.ge @!p0 [sflag:s8], $0x0  }
0x24: {  	s3 =	sadd.s32 $0x88, s3;
	s6 =	simm.s32 @!p1 $0x1082;
	[sflag:s4] =	ssyncset.s32 $0xFFFFF086  }
0x25: {  	[simem:s6], [sflag:s4] =	dma.local [hbm:s3], $0xF7A  }
0x26: {  	[smem:$0x3F96] =	sst s1;
	(tag) =	ssettag s2;
	_ =	strace s9  }
0x27: {  	s1 =	sld [smem:$0x3FA6]  }
0x28: {  	s2 =	sld [smem:$0x3FA7]  }
0x29: {  	s4 =	sld [smem:$0x3FA9]  }
0x2a: {  	p0 =	seq.s32 s5, $0x0;
	s5 =	sld [smem:$0x3FAA]  }
0x2b: {  	s6 =	sld [smem:$0x3FAB]  }
0x2c: {  	s7 =	sld [smem:$0x3FAC]  }
0x2d: {  	s3 =	simm.s32 $0x108;
	s8 =	sld [smem:$0x3FAD]  }
0x2e: {  	s3 =	simm.s32 @!p0 $0x1082;
	s9 =	sld [smem:$0x3FAE]  }
0x2f: {  	lr =	sadd.s32 s0, s3;
	s0 =	sld [smem:$0x3FA5]  }
0x30: {  	s3 =	sld [smem:$0x3FA8]  }
0x31: {  	[smem:$0x3FB1] =	sst s10  }
0x32: {  	s10 =	sld [smem:$0x3FAF];
	_ =	sdelay $0x3  }
0x33: {  	p0 =	seq.s32 s10, $0x1;
	s10 =	sld [smem:$0x3FB1];
	_ =	sdelay $0x3  }
0x34: {  	[smem:$0x3FB1] =	sst s10  }
0x35: {  	s10 =	sld [smem:$0x3FB0];
	_ =	sdelay $0x3  }
0x36: {  	p1 =	seq.s32 s10, $0x1;
	s10 =	sld [smem:$0x3FB1];
	_ =	sdelay $0x3  }
0x37: {  	[smem:$0x3FB1] =	sst s10  }
0x38: {  	s10 =	sld [smem:$0x3FB2]  }
0x39: {  	_ = 	snop;
	(pc) =	sbr.ind lr, $3  }
0x3a: {  	_ = 	snop  }
0x3b: {  	_ = 	snop  }
0x3c: {  	p2 =	seq.s32 s10, $0x1;
	s10 =	sld [smem:$0x3FB1]  }
0x3d: {  	_ =	shalt  }
0x3e: {  	_ =	shalt  }
0x3f: {  	_ =	shalt  }
0x40: {  	_ =	shalt  }
0x41: {  	_ =	shalt  }
0x42: {  	_ =	shalt  }
0x43: {  	_ =	shalt  }
0x44: {  	_ =	shalt  }
0x45: {  	_ =	shalt  }
0x46: {  	_ =	shalt  }
0x47: {  	_ =	shalt  }
0x48: {  	_ =	shalt  }
0x49: {  	_ =	shalt  }
0x4a: {  	_ =	shalt  }
0x4b: {  	_ =	shalt  }
0x4c: {  	_ =	shalt  }
0x4d: {  	_ =	shalt  }
0x4e: {  	_ =	shalt  }
0x4f: {  	_ =	shalt  }
0x50: {  	_ =	shalt  }
0x51: {  	_ =	shalt  }
0x52: {  	_ =	shalt  }
0x53: {  	_ =	shalt  }
0x54: {  	_ =	shalt  }
0x55: {  	_ =	shalt  }
0x56: {  	_ =	shalt  }
0x57: {  	_ =	shalt  }
0x58: {  	_ =	shalt  }
0x59: {  	_ =	shalt  }
0x5a: {  	_ =	shalt  }
0x5b: {  	_ =	shalt  }
0x5c: {  	_ =	shalt  }
0x5d: {  	_ =	shalt  }
0x5e: {  	_ =	shalt  }
0x5f: {  	_ =	shalt  }
0x60: {  	_ =	shalt  }
0x61: {  	_ =	shalt  }
0x62: {  	_ =	shalt  }
0x63: {  	_ =	shalt  }
0x64: {  	_ =	shalt  }
0x65: {  	_ =	shalt  }
0x66: {  	_ =	shalt  }
0x67: {  	_ =	shalt  }
0x68: {  	_ =	shalt  }
0x69: {  	_ =	shalt  }
0x6a: {  	_ =	shalt  }
0x6b: {  	_ =	shalt  }
0x6c: {  	_ =	shalt  }
0x6d: {  	_ =	shalt  }
0x6e: {  	_ =	shalt  }
0x6f: {  	_ =	shalt  }
0x70: {  	_ =	shalt  }
0x71: {  	_ =	shalt  }
0x72: {  	_ =	shalt  }
0x73: {  	_ =	shalt  }
0x74: {  	_ =	shalt  }
0x75: {  	_ =	shalt  }
0x76: {  	_ =	shalt  }
0x77: {  	_ =	shalt  }
0x78: {  	_ =	shalt  }
0x79: {  	_ =	shalt  }
0x7a: {  	_ =	shalt  }
0x7b: {  	_ =	shalt  }
0x7c: {  	_ =	shalt  }
0x7d: {  	_ =	shalt  }
0x7e: {  	_ =	shalt  }
0x7f: {  	_ =	shalt  }
0x80: {  	_ =	shalt  }
0x81: {  	_ =	shalt  }
0x82: {  	_ =	shalt  }
0x83: {  	_ =	shalt  }
0x84: {  	_ =	shalt  }
0x85: {  	_ =	shalt  }
0x86: {  	_ =	shalt  }
0x87: {  	_ =	shalt  }
.Lfunc_end0:
.L_simem_size_0:
called_computation_lowered:
.L_overlay_start_0:
0x88: {  	s2 =	sld [smem:$0x3FD9]  }
0x89: {  	s3 =	sld [smem:$0x3FFE];
	_ =	sdelay $0x1  }
0x8a: {  	s1 =	srdreg.scid  }
0x8b: {  	s0 =	sand.u32 $0x1, s1  }
0x8c: {  	s17 =	sshll.u32 s0, $0xA;
	s2 =	sadd.s32 s3, s2  }
0x8d: {  	s2 =	sadd.s32 s2, s17  }
0x8e: {  	[smem:$0x3FBD] =	sst s2  }
0x8f: {  	_ = 	snop  }
0x90: {  	s2 =	sld [smem:$0x3FD0];
	(tm) =	ssettm $0x1  }
0x91: {  	s18 =	sld [smem:$0x3FFB];
	_ =	sdelay $0x3  }
0x92: {  	_ =	strace s18  }
0x93: {  	s3 =	sld [smem:$0x3FFC];
	_ =	sdelay $0x3  }
0x94: {  	_ =	strace s3  }
0x95: {  	s3 =	sld [smem:$0x3FFD];
	_ =	sdelay $0x3  }
0x96: {  	_ =	strace s3  }
0x97: {  	_ =	strace $0x8FFFFFFF  }
0x98: {  	s19 =	sld [smem:$0x3FDB];
	_ =	sdelay $0x1  }
0x99: {  	s4 =	simm.s32 $_scs_section_size  }
0x9a: {  	s5 =	simm.s32 $_size__tile_overlayer_lowered;
	s6 =	simm.s32 $_tile_overlayer_lowered  }
0x9b: {  	s22 =	simm.s32 $0x1BFF;
	s21 =	sshll.u32 s6, $0x1;
	s3 =	sadd.s32 s4, s19  }
0x9c: {  	s7 =	simm.s32 $0x0;
	s20 =	sshll.u32 s5, $0x1;
	s5 =	sadd.s32 s21, s3  }
0x9d: {  	[timem:s7], [sflag:s22] =	dma.local [hbm:s5], s20  }
0x9e: {  	_ =	swait.ge [sflag:s22], s20  }
0x9f: {  	s4 =	ssub.s32 $0x0, s20;
	[sflag:s22] =	ssyncset.done $0x0  }
0xa0: {  	[sflag:s22] =	ssyncadd.s32 s4;
	_ =	sdelay $0x1  }
0xa1: {  	s23 =	simm.s32 $0x1B8B  }
0xa2: {  	_ =	swait.ge [sflag:s23], $0x1  }
0xa3: {  	[sflag:s23] =	ssyncset.done $0x0  }
0xa4: {  	s25 =	simm.s32 $0x1B8E;
	s24 =	sld [smem:$0x3FFE];
	[sflag:s23] =	ssyncadd.s32 $0xFFFFFFFF  }
0xa5: {  	s26 =	simm.s32 $execute0_lowered;
	[smem:$0x3FD2] =	sst s25  }
0xa6: {  	s5 =	sshll.u32 s26, $0x1;
	_ =	strace $0x80000046;
	[dreg:$0x1] =	wrdreg $0xFFFFFFFF  }
0xa7: {  	s28 =	simm.s32 $_size_execute0_lowered;
	s3 =	sadd.s32 s3, s5;
	[dreg:$0x0] =	wrdreg $0x0  }
0xa8: {  	s5 =	sshll.u32 s28, $0x1;
	[dreg:$0x2] =	wrdreg s3  }
0xa9: {  	[dreg:$0x3] =	wrdreg s5  }
0xaa: {  	[dreg:$0x4] =	wrdreg $0xC0  }
0xab: {  	_ =	task [dreg:s7], $0x5FFFF  }
0xac: {  	[dreg:$0x1] =	wrdreg $0xFFFFFFFF  }
0xad: {  	[dreg:$0x0] =	wrdreg $0x60  }
0xae: {  	[dreg:$0x2] =	wrdreg s24  }
0xaf: {  	[dreg:$0x3] =	wrdreg s2  }
0xb0: {  	[dreg:$0x4] =	wrdreg $0x65000  }
0xb1: {  	[dreg:$0x5] =	wrdreg $0x9  }
0xb2: {  	_ =	task.clear_ibuf [dreg:s7], $0x6FFFF;
	_ =	strace $0x90000046  }
0xb3: {  	s29 =	simm.s32 $0x9;
	_ =	strace $0x80000048  }
0xb4: {  	_ =	swait.ge [sflag:s29], $0x1  }
0xb5: {  	[sflag:s29] =	ssyncadd.s32 $0xFFFFFFFF  }
0xb6: {  	_ =	strace $0x90000048  }
0xb7: {  	_ =	sfence  }
0xb8: {  	s30 =	sld [smem:$0x0];
	_ =	sdelay $0x2  }
0xb9: {  	s31 =	sshll.u32 s1, $0xD;
	s1 =	sshrl.u32 s1, $0x2  }
0xba: {  	s3 =	sand.u32 $0x4000, s31;
	s1 =	sadd.s32 s1, s30  }
0xbb: {  	s0 =	sor.u32 s3, s0;
	s1 =	sshll.u32 s1, $0x11  }
0xbc: {  	s0 =	sor.u32 s1, s0  }
0xbd: {  	s0 =	sadd.s32 $0x8F2B, s0  }
0xbe: {  	[sflag:s0] =	ssyncadd.remote.s32 $0x1  }
0xbf: {  	_ =	sfence.sel $0xFFFF  }
0xc0: {  	[dreg:$0x0] =	wrdreg $0xFFFFFFFF;
	(pc) =	sbr.abs _section_cstart, $3  }
0xc1: {  	[dreg:$0x1] =	wrdreg $0xFFFFFFFF  }
0xc2: {  	_ =	task.clear_ibuf [dreg:s7], $0x2FFFF;
	_ =	strace $0x9FFFFFFF  }
0xc3: {  	(tm) =	ssettm $0x7FFFFFFF  }
tec
execute0_lowered:
.L_overlay_start_1:
0x0: {  	(tag) =	ssettag $0x1  }
0x1: {  	s0 =	rddreg [dreg:$0x0]  }
0x2: {  	s1 =	rddreg [dreg:$0x1]  }
0x3: {  	s2 =	rddreg [dreg:$0x2];
	s3 =	simm.s32 $0x0  }
0x4: {  	s15 =	stileid.u32;
	s4 =	srdreg.scid;
	s28 =	simm.s32 $0x28  }
0x5: {  	s29 =	simm.s32 $0x100;
	s30 =	simm.s32 $0x1500;
	s31 =	simm.s32 $0x1D00  }
0x6: {  	[smem:$0x7FF] =	sst s3;
	s5 =	sadd.s32 $0xBA00, s0;
	s7 =	sadd.s32 $0x4F7800, s0  }
0x7: {  	s6 =	sadd.s32 $0x1C00, s0;
	s9 =	smul.u32 $0x2700, s15;
	s8 =	sadd.s32 $0x56CC00, s0  }
0x8: {  	s4 =	sand.u32 $0x1, s4;
	s11 =	smul.u32 $0x4E000, s15;
	s14 =	sadd.s32 $0x124800, s2  }
0x9: {  	s22 =	sadd.s32 $0x3A100, s0;
	s23 =	sadd.s32 $0x56A300, s0;
	p3 =	seq.s32 s15, $0xF  }
0xa: {  	s25 =	sadd.s32 $0x88500, s0;
	_ =	strace $0x80000047;
	[dreg:$0x6] =	wrdreg s22  }
0xb: {  	s10 =	ssub.s32 $0x2, s4;
	s13 =	sshll.u32 s4, $0x4;
	[dreg:$0x7] =	wrdreg s23  }
0xc: {  	[dreg:$0xa] =	wrdreg s25;
	p2 =	sne.s32 @p3 s4, $0x0;
	p4 =	sne.s32 @!p3 s4, $0x0  }
0xd: {  	s25 =	simm.s32 $0x3;
	s4 =	simm.s32 $0x2D00;
	s9 =	sadd.s32 s9, s0  }
0xe: {  	s12 =	sshrl.u32 s10, $0x1;
	s19 =	sor.u32 s15, s13;
	s11 =	sshrl.u32 s11, $0x2  }
0xf: {  	s0 =	sadd.s32 $0x61300, s0;
	p0 =	por !p2, !p3;
	p1 =	por !p4, p3  }
0x10: {  	p2 =	por p2, !p3;
	p3 =	por p4, p3;
	s10 =	ssub.s32 s10, s12  }
0x11: {  	s11 =	sadd.s32 s11, s2;
	s20 =	sadd.s32 $0x545A00, s9;
	[dreg:$0xb] =	wrdreg s0  }
0x12: {  	s21 =	sadd.s32 $0x15800, s9;
	s13 =	smul.u32 $0x2710, s19;
	[dreg:$0x4] =	wrdreg s20  }
0x13: {  	s24 =	sadd.s32 $0x63C00, s9;
	s9 =	sadd.s32 $0x3CA00, s9;
	[dreg:$0x5] =	wrdreg s21  }
0x14: {  	s16 =	sshrl.u32 @!p0 s14, $0x3;
	s0 =	sshll.u32 @!p1 s15, $0x6;
	[dreg:$0x8] =	wrdreg s24  }
0x15: {  	s17 =	sshrl.u32 @!p2 s14, $0x3;
	s12 =	simm.s32 $0x2;
	[dreg:$0x9] =	wrdreg s9  }
0x16: {  	s26 =	smax.u32 s10, $0x1;
	s18 =	sor.u32 @!p1 $0x1C03, s0;
	s0 =	sshll.u32 @!p3 s15, $0x6  }
0x17: {  	s19 =	sshrl.u32 @!p1 s11, $0x3;
	s20 =	sshrl.u32 @!p3 s11, $0x3;
	[dreg:$0xf] =	wrdreg s16  }
0x18: {  	v2 =	vlaneseq.u32;
	s9 =	simm.s32 $0x3500;
	s10 =	simm.s32 $0x3D00;
	[dreg:$0xc] =	wrdreg s26  }
0x19: {  	vm0 =	vmmov $0xffff;
	v1 =	vshrl.u32 v2, $0x3;
	s11 =	simm.s32 $0x1;
	s24 =	sor.u32 @!p3 $0x1C03, s0;
	[dreg:$0xe] =	wrdreg s20  }
0x1a: {  	v0 =	vand.u32 $0x7, v2;
	v2 =	vor.u32 $0x8, v2;
	v1 =	vmul.u32 $0x8, v1;
	s26 =	simm.s32 $0x80;
	s0 =	simm.s32 $0x2500;
	[dreg:$0xd] =	wrdreg s24  }
.LBB2_1:
0x1b: {  	s14 =	simm.s32 @!p0 $0x1FC3;
	s15 =	rddreg [dreg:$0x6]  }
0x1c: {  	[spmem:s16], [sflag:s14] =	dma.local @!p0 [hbm:s15], $0x2800  }
0x1d: {  	s14 =	simm.s32 @!p0 $0x3  }
0x1e: {  	_ =	swait.ge @!p0 [sflag:s14], $0x2800  }
0x1f: {  	[sflag:s14] =	ssyncset.done @!p0 $0x0  }
0x20: {  	s15 =	rddreg [dreg:$0x7];
	[sflag:s14] =	ssyncadd.s32 @!p0 $0xFFFFD800;
	s14 =	simm.s32 @!p2 $0x1FC3  }
0x21: {  	[spmem:s17], [sflag:s14] =	dma.local @!p2 [hbm:s15], $0x2800  }
0x22: {  	s14 =	simm.s32 @!p2 $0x3  }
0x23: {  	_ =	swait.ge @!p2 [sflag:s14], $0x2800  }
0x24: {  	[sflag:s14] =	ssyncset.done @!p2 $0x0  }
0x25: {  	[sflag:s14] =	ssyncadd.s32 @!p2 $0xFFFFD800;
	s14 =	rddreg [dreg:$0x5]  }
0x26: {  	[spmem:s19], [sflag:s18] =	dma.local @!p1 [hbm:s14], $0x2700  }
0x27: {  	s14 =	simm.s32 @!p1 $0x3  }
0x28: {  	_ =	swait.ge @!p1 [sflag:s14], $0x2700  }
0x29: {  	[sflag:s14] =	ssyncset.done @!p1 $0x0  }
0x2a: {  	[sflag:s14] =	ssyncadd.s32 @!p1 $0xFFFFD900;
	s14 =	rddreg [dreg:$0x4]  }
0x2b: {  	[spmem:s20], [sflag:s24] =	dma.local @!p3 [hbm:s14], $0x2700  }
0x2c: {  	s14 =	simm.s32 @!p3 $0x3  }
0x2d: {  	_ =	swait.ge @!p3 [sflag:s14], $0x2700  }
0x2e: {  	[sflag:s14] =	ssyncset.done @!p3 $0x0  }
0x2f: {  	s21 =	smov.u32 s17;
	s22 =	smov.u32 s18;
	[sflag:s14] =	ssyncadd.s32 @!p3 $0xFFFFD900  }
0x30: {  	s23 =	smov.u32 s19;
	s14 =	simm.s32 $0x0;
	[bflag:$0x0] =	sbarrier.arrive $0xFFFF  }
.LBB2_2:
0x31: {  	s15 =	smul.u32 $0x28, s14;
	_ =	sdelay $0x1  }
0x32: {  	s16 =	sadd.s32 s13, s15  }
0x33: {  	s17 =	sshrl.u32 s16, $0x3  }
0x34: {  	s15 =	simm.s32 $0x0;
	s18 =	sadd.s32 s5, s17  }
0x35: {  	[tilespmem:s15], [sflag:$0x3] =	stream.linear.gather [hbm4b:s18+s15], $0x28, $0x38;
	[tilespmem:$0x19D80] =	vst v63  }
0x36: {  	_ =	swait.ge [sflag:s25], $0x28  }
0x37: {  	[sflag:s25] =	ssyncset.done $0x0  }
0x38: {  	s17 =	sadd.s32 s6, s17;
	[sflag:s25] =	ssyncadd.s32 $0xFFFFFFD8  }
0x39: {  	[tilespmem:s26], [sflag:$0x3] =	stream.linear.gather [hbm4b:s17+s15], $0x28, $0x38;
	[tilespmem:$0x19D80] =	vst v63  }
0x3a: {  	_ =	swait.ge [sflag:s25], $0x28  }
0x3b: {  	[sflag:s25] =	ssyncset.done $0x0  }
0x3c: {  	[sflag:s25] =	ssyncadd.s32 $0xFFFFFFD8  }
0x3d: {  	[tilespmem:s29], [sflag:$0x1] =	stream.indirect.gather [hbm4b:s1+s28], $0x80, s26, s28, $0xb8;
	[tilespmem:$0x19D80] =	vst v63  }
0x3e: {  	v3 =	vld [tilespmem:$0x0];
	_ =	sdelay $0x4  }
0x3f: {  	v4 =	vshll.u32 v3, $0x1  }
0x40: {  	v3 =	vand.u32 $0x7, v3;
	v4 =	vand.u32 $0xFFFFFFF0, v4  }
0x41: {  	v3 =	vor.u32 v3, v4  }
0x42: {  	v4 =	vperm.xlane v3, v0;
	_ =	sdelay $0x1  }
0x43: {  	v3 =	vperm.xlane v3, v2;
	v4 =	vadd.s32 v1, v4;
	_ =	sdelay $0x1  }
0x44: {  	v3 =	vadd.s32 v1, v3;
	_ =	sdelay $0x2  }
0x45: {  	[tilespmem:s30], [sflag:$0x2] =	stream.indirect_vreg.gather [hbm4b:s7+s15], $0x80, v4, vm0, $0xb8;
	[tilespmem:$0x19D80] =	vst v63  }
0x46: {  	_ = 	snop  }
0x47: {  	[tilespmem:s31], [sflag:$0x2] =	stream.indirect_vreg.gather [hbm4b:s7+s15], $0x80, v3, vm0, $0xb8;
	[tilespmem:$0x19D80] =	vst v63  }
0x48: {  	v3 =	vld [tilespmem:$0x10];
	_ =	sdelay $0x4  }
0x49: {  	v62 =	vshll.u32 v3, $0x1  }
0x4a: {  	v3 =	vand.u32 $0x7, v3;
	v4 =	vand.u32 $0xFFFFFFF0, v62  }
0x4b: {  	v3 =	vor.u32 v3, v4  }
0x4c: {  	v4 =	vperm.xlane v3, v0;
	_ =	sdelay $0x1  }
0x4d: {  	v3 =	vperm.xlane v3, v2;
	v4 =	vadd.s32 v1, v4;
	_ =	sdelay $0x1  }
0x4e: {  	v3 =	vadd.s32 v1, v3;
	_ =	sdelay $0x2  }
0x4f: {  	[tilespmem:s0], [sflag:$0x2] =	stream.indirect_vreg.gather [hbm4b:s7+s15], $0x80, v4, vm0, $0xb8;
	[tilespmem:$0x19D80] =	vst v63  }
0x50: {  	_ = 	snop  }
0x51: {  	[tilespmem:s4], [sflag:$0x2] =	stream.indirect_vreg.gather [hbm4b:s7+s15], $0x80, v3, vm0, $0xb8;
	[tilespmem:$0x19D80] =	vst v63  }
0x52: {  	v3 =	vld.msk [tilespmem:$0x20], $0xff;
	_ =	sdelay $0x4  }
0x53: {  	v63 =	vshll.u32 v3, $0x1  }
0x54: {  	v3 =	vand.u32 $0x7, v3;
	v4 =	vand.u32 $0xFFFFFFF0, v63  }
0x55: {  	v3 =	vor.u32 v3, v4  }
0x56: {  	v3 =	vperm.xlane v3, v0;
	_ =	sdelay $0x1  }
0x57: {  	v3 =	vadd.s32 v1, v3;
	_ =	sdelay $0x3  }
0x58: {  	s16 =	sshll.u32 s16, $0x5  }
0x59: {  	[tilespmem:s9], [sflag:$0x2] =	stream.indirect_vreg.gather [hbm4b:s7+s15], $0x80, v3, vm0, $0xb8;
	[tilespmem:$0x19D80] =	vst v63  }
0x5a: {  	s16 =	sadd.s32 s8, s16  }
0x5b: {  	[tilespmem:s10], [sflag:$0x3] =	stream.linear.gather [hbm4b:s16+s15], $0x2800, $0x38;
	[tilespmem:$0x19D80] =	vst v63  }
0x5c: {  	_ =	swait.ge [sflag:s25], $0x2800  }
0x5d: {  	[sflag:s25] =	ssyncset.done $0x0  }
0x5e: {  	[sflag:s25] =	ssyncadd.s32 $0xFFFFD800  }
0x5f: {  	_ =	swait.ge [sflag:s11], $0x1400  }
0x60: {  	[sflag:s11] =	ssyncset.done $0x0  }
0x61: {  	[sflag:s11] =	ssyncadd.s32 $0xFFFFEC00  }
0x62: {  	_ =	swait.ge [sflag:s12], $0x2800  }
0x63: {  	[sflag:s12] =	ssyncset.done $0x0  }
0x64: {  	s17 =	simm.s32 $0x0;
	s16 =	simm.s32 $0x140;
	[sflag:s12] =	ssyncadd.s32 $0xFFFFD800  }
.LBB2_3:
0x65: {  	s18 =	sand.u32 $0x3800, s15;
	s19 =	sand.u32 $0x380, s17  }
0x66: {  	v3 =	vld [tilespmem:s16+$0xFFFFFFC0];
	s18 =	sor.u32 s19, s18  }
0x67: {  	v4 =	vld [tilespmem:s18+$0x1500];
	_ =	sdelay $0x1  }
0x68: {  	v5 =	vld [tilespmem:s18+$0x3D00];
	_ =	sdelay $0x2  }
0x69: {  	v3 =	vadd.f32 v4, v3;
	_ =	sdelay $0x1  }
0x6a: {  	v3 =	vadd.f32 v5, v3;
	_ =	sdelay $0x1  }
0x6b: {  	v3 =	vsub.f32 $0.0e+00, v3;
	_ =	sdelay $0x1  }
0x6c: {  	v3 =	vmul.f32 $1.442695020e+00, v3;
	_ =	sdelay $0x1  }
0x6d: {  	(erf) = vpow2.f32 v3;
	_ =	sdelay $0x8  }
0x6e: {  	v3 =	vpop (erf)  }
0x6f: {  	v3 =	vadd.f32 $1.000000000e+00, v3;
	_ =	sdelay $0x1  }
0x70: {  	(erf) = vrcp.f32 v3;
	_ =	sdelay $0x1  }
0x71: {  	v34 =	vld [tilespmem:s18+$0x4100]  }
0x72: {  	v3 =	vld [tilespmem:s18+$0x1900];
	_ =	sdelay $0x4  }
0x73: {  	v3 =	vadd.f32 v34, v3  }
0x74: {  	v35 =	vpop (erf)  }
0x75: {  	v3 =	vmul.f32 v35, v3;
	_ =	sdelay $0x1  }
0x76: {  	[tilespmem:s16+$0xFFFFFFC0] =	vst v3;
	v3 =	vld [tilespmem:s16+$0xFFFFFFD0]  }
0x77: {  	v36 =	vld [tilespmem:s18+$0x1510];
	_ =	sdelay $0x1  }
0x78: {  	v37 =	vld [tilespmem:s18+$0x3D10];
	_ =	sdelay $0x2  }
0x79: {  	v3 =	vadd.f32 v36, v3;
	_ =	sdelay $0x1  }
0x7a: {  	v3 =	vadd.f32 v37, v3;
	_ =	sdelay $0x1  }
0x7b: {  	v3 =	vsub.f32 $0.0e+00, v3;
	_ =	sdelay $0x1  }
0x7c: {  	v3 =	vmul.f32 $1.442695020e+00, v3;
	_ =	sdelay $0x1  }
0x7d: {  	(erf) = vpow2.f32 v3;
	_ =	sdelay $0x8  }
0x7e: {  	v3 =	vpop (erf)  }
0x7f: {  	v3 =	vadd.f32 $1.000000000e+00, v3;
	_ =	sdelay $0x1  }
0x80: {  	(erf) = vrcp.f32 v3;
	_ =	sdelay $0x1  }
0x81: {  	v38 =	vld [tilespmem:s18+$0x4110]  }
0x82: {  	v3 =	vld [tilespmem:s18+$0x1910];
	_ =	sdelay $0x4  }
0x83: {  	v3 =	vadd.f32 v38, v3  }
0x84: {  	v39 =	vpop (erf)  }
0x85: {  	v3 =	vmul.f32 v39, v3;
	_ =	sdelay $0x1  }
0x86: {  	[tilespmem:s16+$0xFFFFFFD0] =	vst v3;
	v3 =	vld [tilespmem:s16+$0xFFFFFFE0]  }
0x87: {  	v40 =	vld [tilespmem:s18+$0x1520];
	_ =	sdelay $0x1  }
0x88: {  	v41 =	vld [tilespmem:s18+$0x3D20];
	_ =	sdelay $0x2  }
0x89: {  	v3 =	vadd.f32 v40, v3;
	_ =	sdelay $0x1  }
0x8a: {  	v3 =	vadd.f32 v41, v3;
	_ =	sdelay $0x1  }
0x8b: {  	v3 =	vsub.f32 $0.0e+00, v3;
	_ =	sdelay $0x1  }
0x8c: {  	v3 =	vmul.f32 $1.442695020e+00, v3;
	_ =	sdelay $0x1  }
0x8d: {  	(erf) = vpow2.f32 v3;
	_ =	sdelay $0x8  }
0x8e: {  	v3 =	vpop (erf)  }
0x8f: {  	v3 =	vadd.f32 $1.000000000e+00, v3;
	_ =	sdelay $0x1  }
0x90: {  	(erf) = vrcp.f32 v3;
	_ =	sdelay $0x1  }
0x91: {  	v42 =	vld [tilespmem:s18+$0x4120]  }
0x92: {  	v3 =	vld [tilespmem:s18+$0x1920];
	_ =	sdelay $0x4  }
0x93: {  	v3 =	vadd.f32 v42, v3  }
0x94: {  	v43 =	vpop (erf)  }
0x95: {  	v3 =	vmul.f32 v43, v3;
	_ =	sdelay $0x1  }
0x96: {  	[tilespmem:s16+$0xFFFFFFE0] =	vst v3;
	v3 =	vld [tilespmem:s16+$0xFFFFFFF0]  }
0x97: {  	v44 =	vld [tilespmem:s18+$0x1530];
	_ =	sdelay $0x1  }
0x98: {  	v45 =	vld [tilespmem:s18+$0x3D30];
	_ =	sdelay $0x2  }
0x99: {  	v3 =	vadd.f32 v44, v3;
	_ =	sdelay $0x1  }
0x9a: {  	v3 =	vadd.f32 v45, v3;
	_ =	sdelay $0x1  }
0x9b: {  	v3 =	vsub.f32 $0.0e+00, v3;
	_ =	sdelay $0x1  }
0x9c: {  	v3 =	vmul.f32 $1.442695020e+00, v3;
	_ =	sdelay $0x1  }
0x9d: {  	(erf) = vpow2.f32 v3;
	_ =	sdelay $0x8  }
0x9e: {  	v3 =	vpop (erf)  }
0x9f: {  	v3 =	vadd.f32 $1.000000000e+00, v3;
	_ =	sdelay $0x1  }
0xa0: {  	(erf) = vrcp.f32 v3;
	_ =	sdelay $0x1  }
0xa1: {  	v46 =	vld [tilespmem:s18+$0x4130]  }
0xa2: {  	v3 =	vld [tilespmem:s18+$0x1930];
	_ =	sdelay $0x4  }
0xa3: {  	v3 =	vadd.f32 v46, v3  }
0xa4: {  	v47 =	vpop (erf)  }
0xa5: {  	v3 =	vmul.f32 v47, v3;
	_ =	sdelay $0x1  }
0xa6: {  	[tilespmem:s16+$0xFFFFFFF0] =	vst v3;
	v3 =	vld [tilespmem:s16+$0x0]  }
0xa7: {  	v48 =	vld [tilespmem:s18+$0x1540];
	_ =	sdelay $0x1  }
0xa8: {  	v49 =	vld [tilespmem:s18+$0x3D40];
	_ =	sdelay $0x2  }
0xa9: {  	v3 =	vadd.f32 v48, v3;
	_ =	sdelay $0x1  }
0xaa: {  	v3 =	vadd.f32 v49, v3;
	_ =	sdelay $0x1  }
0xab: {  	v3 =	vsub.f32 $0.0e+00, v3;
	_ =	sdelay $0x1  }
0xac: {  	v3 =	vmul.f32 $1.442695020e+00, v3;
	_ =	sdelay $0x1  }
0xad: {  	(erf) = vpow2.f32 v3;
	_ =	sdelay $0x8  }
0xae: {  	v3 =	vpop (erf)  }
0xaf: {  	v3 =	vadd.f32 $1.000000000e+00, v3;
	_ =	sdelay $0x1  }
0xb0: {  	(erf) = vrcp.f32 v3;
	_ =	sdelay $0x1  }
0xb1: {  	v50 =	vld [tilespmem:s18+$0x4140]  }
0xb2: {  	v3 =	vld [tilespmem:s18+$0x1940];
	_ =	sdelay $0x4  }
0xb3: {  	v3 =	vadd.f32 v50, v3  }
0xb4: {  	v51 =	vpop (erf)  }
0xb5: {  	v3 =	vmul.f32 v51, v3;
	_ =	sdelay $0x1  }
0xb6: {  	[tilespmem:s16+$0x0] =	vst v3;
	v3 =	vld [tilespmem:s16+$0x10]  }
0xb7: {  	v52 =	vld [tilespmem:s18+$0x1550];
	_ =	sdelay $0x1  }
0xb8: {  	v53 =	vld [tilespmem:s18+$0x3D50];
	_ =	sdelay $0x2  }
0xb9: {  	v3 =	vadd.f32 v52, v3;
	_ =	sdelay $0x1  }
0xba: {  	v3 =	vadd.f32 v53, v3;
	_ =	sdelay $0x1  }
0xbb: {  	v3 =	vsub.f32 $0.0e+00, v3;
	_ =	sdelay $0x1  }
0xbc: {  	v3 =	vmul.f32 $1.442695020e+00, v3;
	_ =	sdelay $0x1  }
0xbd: {  	(erf) = vpow2.f32 v3;
	_ =	sdelay $0x8  }
0xbe: {  	v3 =	vpop (erf)  }
0xbf: {  	v3 =	vadd.f32 $1.000000000e+00, v3;
	_ =	sdelay $0x1  }
0xc0: {  	(erf) = vrcp.f32 v3;
	_ =	sdelay $0x1  }
0xc1: {  	v54 =	vld [tilespmem:s18+$0x4150]  }
0xc2: {  	v3 =	vld [tilespmem:s18+$0x1950];
	_ =	sdelay $0x4  }
0xc3: {  	v3 =	vadd.f32 v54, v3  }
0xc4: {  	v55 =	vpop (erf)  }
0xc5: {  	v3 =	vmul.f32 v55, v3;
	_ =	sdelay $0x1  }
0xc6: {  	[tilespmem:s16+$0x10] =	vst v3;
	v3 =	vld [tilespmem:s16+$0x20]  }
0xc7: {  	v56 =	vld [tilespmem:s18+$0x1560];
	_ =	sdelay $0x1  }
0xc8: {  	v57 =	vld [tilespmem:s18+$0x3D60];
	_ =	sdelay $0x2  }
0xc9: {  	v3 =	vadd.f32 v56, v3;
	_ =	sdelay $0x1  }
0xca: {  	v3 =	vadd.f32 v57, v3;
	_ =	sdelay $0x1  }
0xcb: {  	v3 =	vsub.f32 $0.0e+00, v3;
	_ =	sdelay $0x1  }
0xcc: {  	v3 =	vmul.f32 $1.442695020e+00, v3;
	_ =	sdelay $0x1  }
0xcd: {  	(erf) = vpow2.f32 v3;
	_ =	sdelay $0x8  }
0xce: {  	v3 =	vpop (erf)  }
0xcf: {  	v3 =	vadd.f32 $1.000000000e+00, v3;
	_ =	sdelay $0x1  }
0xd0: {  	(erf) = vrcp.f32 v3;
	_ =	sdelay $0x1  }
0xd1: {  	v58 =	vld [tilespmem:s18+$0x4160]  }
0xd2: {  	v3 =	vld [tilespmem:s18+$0x1960];
	_ =	sdelay $0x4  }
0xd3: {  	v3 =	vadd.f32 v58, v3  }
0xd4: {  	v59 =	vpop (erf)  }
0xd5: {  	v3 =	vmul.f32 v59, v3;
	_ =	sdelay $0x1  }
0xd6: {  	[tilespmem:s16+$0x20] =	vst v3;
	v3 =	vld [tilespmem:s16+$0x30]  }
0xd7: {  	v60 =	vld [tilespmem:s18+$0x1570];
	_ =	sdelay $0x1  }
0xd8: {  	v61 =	vld [tilespmem:s18+$0x3D70];
	_ =	sdelay $0x2  }
0xd9: {  	v3 =	vadd.f32 v60, v3;
	_ =	sdelay $0x1  }
0xda: {  	v3 =	vadd.f32 v61, v3;
	_ =	sdelay $0x1  }
0xdb: {  	v3 =	vsub.f32 $0.0e+00, v3;
	_ =	sdelay $0x1  }
0xdc: {  	v3 =	vmul.f32 $1.442695020e+00, v3;
	_ =	sdelay $0x1  }
0xdd: {  	(erf) = vpow2.f32 v3;
	_ =	sdelay $0x8  }
0xde: {  	v3 =	vpop (erf)  }
0xdf: {  	v3 =	vadd.f32 $1.000000000e+00, v3;
	_ =	sdelay $0x1  }
0xe0: {  	(erf) = vrcp.f32 v3;
	_ =	sdelay $0x1  }
0xe1: {  	v62 =	vld [tilespmem:s18+$0x4170]  }
0xe2: {  	v3 =	vld [tilespmem:s18+$0x1970];
	_ =	sdelay $0x3  }
0xe3: {  	p4 =	sne.s32 s17, $0x1380  }
.Ltmp0:
0xe4: {  	v3 =	vadd.f32 v62, v3;
	(pc) =	sbr.rel @p4 .LBB2_3-.Ltmp0, $3  }
0xe5: {  	v63 =	vpop (erf)  }
0xe6: {  	v3 =	vmul.f32 v63, v3;
	_ =	sdelay $0x1  }
0xe7: {  	s15 =	sadd.s32 $0x100, s15;
	s17 =	sadd.s32 $0x80, s17;
	[tilespmem:s16+$0x30] =	vst v3;
	s16 =	sadd.s32 $0x80, s16  }
0xe8: {  	s14 =	sadd.s32 $0x1, s14  }
0xe9: {  	p4 =	sne.s32 s14, $0xFA  }
.Ltmp1:
0xea: {  	_ = 	snop;
	(pc) =	sbr.rel @p4 .LBB2_2-.Ltmp1, $4  }
0xeb: {  	[spmem:s2] =	stream.indirect.scatter.add.f32 [tilespmem:s29], [sflag:$0x3], $0x80, s26, s28, $0xb8;
	[tilespmem:$0x19D80] =	vst v63  }
0xec: {  	_ =	swait.ge [sflag:s25], $0x1400  }
0xed: {  	[sflag:s25] =	ssyncset.done $0x0  }
0xee: {  	[sflag:s25] =	ssyncadd.s32 $0xFFFFEC00  }
0xef: {  	[bflag:$0x0] =	sbarrier.arrive $0xFFFF  }
0xf0: {  	s15 =	rddreg [dreg:$0xa]  }
0xf1: {  	s14 =	simm.s32 @!p0 $0x1FC3;
	s16 =	rddreg [dreg:$0xf]  }
0xf2: {  	[hbm:s15], [sflag:s14] =	dma.local @!p0 [spmem:s16], $0x2800  }
0xf3: {  	s14 =	simm.s32 @!p0 $0x3  }
0xf4: {  	_ =	swait.ge @!p0 [sflag:s14], $0x2800  }
0xf5: {  	[sflag:s14] =	ssyncset.done @!p0 $0x0  }
0xf6: {  	s15 =	rddreg [dreg:$0xb];
	[sflag:s14] =	ssyncadd.s32 @!p0 $0xFFFFD800;
	s14 =	simm.s32 @!p2 $0x1FC3  }
0xf7: {  	[hbm:s15], [sflag:s14] =	dma.local @!p2 [spmem:s21], $0x2800  }
0xf8: {  	s14 =	simm.s32 @!p2 $0x3  }
0xf9: {  	_ =	swait.ge @!p2 [sflag:s14], $0x2800  }
0xfa: {  	[sflag:s14] =	ssyncset.done @!p2 $0x0  }
0xfb: {  	[sflag:s14] =	ssyncadd.s32 @!p2 $0xFFFFD800;
	s14 =	rddreg [dreg:$0x8]  }
0xfc: {  	[hbm:s14], [sflag:s22] =	dma.local @!p1 [spmem:s23], $0x2700  }
0xfd: {  	s14 =	simm.s32 @!p1 $0x3  }
0xfe: {  	_ =	swait.ge @!p1 [sflag:s14], $0x2700  }
0xff: {  	s24 =	rddreg [dreg:$0xd]  }
0x100: {  	[sflag:s14] =	ssyncset.done @!p1 $0x0;
	s20 =	rddreg [dreg:$0xe]  }
0x101: {  	[sflag:s14] =	ssyncadd.s32 @!p1 $0xFFFFD900;
	s14 =	rddreg [dreg:$0x9]  }
0x102: {  	[hbm:s14], [sflag:s24] =	dma.local @!p3 [spmem:s20], $0x2700  }
0x103: {  	s14 =	simm.s32 @!p3 $0x3  }
0x104: {  	_ =	swait.ge @!p3 [sflag:s14], $0x2700  }
0x105: {  	s19 =	smov.u32 s23;
	s3 =	sadd.s32 $0x1, s3;
	s23 =	rddreg [dreg:$0xc]  }
0x106: {  	p4 =	sne.s32 s3, s23  }
.Ltmp2:
0x107: {  	_ = 	snop;
	(pc) =	sbr.rel @p4 .LBB2_1-.Ltmp2, $3  }
0x108: {  	_ =	sdelay $0x1  }
0x109: {  	[sflag:s14] =	ssyncset.done @!p3 $0x0  }
0x10a: {  	s17 =	smov.u32 s21;
	s18 =	smov.u32 s22;
	[sflag:s14] =	ssyncadd.s32 @!p3 $0xFFFFD900  }
0x10b: {  	_ =	sfence.sel $0x180000  }
0x10c: {  	[bflag:$0x0] =	sbarrier.arrive $0xFFFF  }
0x10d: {  	_ =	strace $0x90000047  }
0x10e: {  	s0 =	stileid.u32;
	[bflag:$0x2] =	sbarrier.arrive $0xFFFF  }
0x10f: {  	p0 =	sne.s32 s0, $0x0;
	s0 =	rddreg [dreg:$0x3]  }
0x110: {  	s0 =	sadd.s32 @!p0 $0x100000, s0  }
0x111: {  	[sflag:s0] =	ssyncadd.tile.s32 @!p0 $0x1;
	_ =	shalt  }
.Lfunc_end2:
_tile_overlayer_lowered:
.L_overlay_start_2:
0x112: {  	(tag) =	ssettag $0x2  }
0x113: {  	s0 =	rddreg [dreg:$0x0];
	s2 =	stileid.u32  }
0x114: {  	s1 =	rddreg [dreg:$0x1];
	p0 =	sne.s32 s2, $0x0  }
0x115: {  	s3 =	rddreg [dreg:$0x2];
	[bflag:$0x3] =	sbarrier.arrive $0xFFFF;
	s2 =	simm.s32 @!p0 $0x1C03  }
0x116: {  	[timem:s3], [sflag:s2] =	dma.local @!p0 [hbm:s0], s1  }
0x117: {  	s0 =	simm.s32 @!p0 $0x3  }
0x118: {  	_ =	swait.ge @!p0 [sflag:s0], s1  }
0x119: {  	s1 =	ssub.s32 @!p0 $0x0, s1;
	[sflag:s0] =	ssyncset.done @!p0 $0x0  }
0x11a: {  	[sflag:s0] =	ssyncadd.s32 @!p0 s1  }
0x11b: {  	[bflag:$0x3] =	sbarrier.arrive $0xFFFF  }
0x11c: {  	_ =	shalt  }

</sc_bundles>
